<compile_context>
chip_gen: v7x
topology: tpu7x:2x2x1
jax: 0.10.2.dev20260603
libtpu: 0.0.44.dev20260713+nightly
codegen_flags: <defaults>
</compile_context>

<pallas_src>
import functools
import math

import jax
import jax.numpy as jnp
from jax import lax
from jax.experimental import pallas as pl
from jax.experimental.pallas import tpu as pltpu
from jax.experimental.pallas import tpu_sc as plsc

D_MODEL = 64
SCALE_F = math.sqrt(D_MODEL)
CHUNK = 128
SPS = 2
LANES = 16
NW = 32
N_S = 200
N_B = 4096


@jax.jit
def _embed_lookup(x4, embedding):
    n_steps = N_S // SPS
    mesh = plsc.VectorSubcoreMesh(core_axis_name="c", subcore_axis_name="s")
    num_cores = 2

    @functools.partial(
        pl.kernel,
        mesh=mesh,
        out_type=jax.ShapeDtypeStruct((N_S, 8, NW, 8, CHUNK), jnp.float32),
        compiler_params=pltpu.CompilerParams(
            use_tc_tiling_on_sc=False, needs_layout_passes=False
        ),
        scratch_types=[
            pltpu.VMEM((N_S // 8, 1, 8, CHUNK), jnp.int32),
            pltpu.VMEM((SPS * CHUNK, D_MODEL), jnp.float32),
            pltpu.VMEM((SPS * CHUNK, D_MODEL), jnp.float32),
            pltpu.VMEM((SPS, 8, 1, 8, CHUNK + 1), jnp.float32),
            pltpu.VMEM((SPS, 8, 1, 8, CHUNK + 1), jnp.float32),
            pltpu.SemaphoreType.DMA,
            pltpu.SemaphoreType.DMA,
            pltpu.SemaphoreType.DMA,
            pltpu.SemaphoreType.DMA,
        ],
    )
    def k(x_hbm, table_hbm, out_hbm, idx_v, ga, gb, oa, ob, ga_s, gb_s, oa_s, ob_s):
        wid = lax.axis_index("s") * num_cores + lax.axis_index("c")
        gbuf = (ga, gb)
        obuf = (oa, ob)
        gsem = (ga_s, gb_s)
        osem = (oa_s, ob_s)

        pltpu.sync_copy(x_hbm.at[:, pl.ds(wid, 1)], idx_v)

        dts = [jnp.arange(16, dtype=jnp.int32) // 8 + (c * 2)
               for c in range(D_MODEL // LANES)]
        drs = [jnp.arange(16, dtype=jnp.int32) % 8
               for _ in range(D_MODEL // LANES)]
        zero16 = jnp.zeros((16,), dtype=jnp.int32)

        def start_gather(j, b):
            for sl in range(SPS):
                s = j * SPS + sl
                pltpu.async_copy(
                    table_hbm.at[idx_v.at[s // 8, 0, s % 8]],
                    gbuf[b].at[pl.ds(sl * CHUNK, CHUNK)],
                    gsem[b],
                )

        def drain_gather(b):
            pltpu.make_async_copy(
                table_hbm.at[pl.ds(0, SPS * CHUNK)], gbuf[b], gsem[b]
            ).wait()

        def out_copy(j, b):
            return pltpu.make_async_copy(
                obuf[b].at[:, :, :, :, pl.ds(0, CHUNK)],
                out_hbm.at[pl.ds(j * SPS, SPS), slice(None), pl.ds(wid, 1)],
                osem[b],
            )

        start_gather(0, 0)

        def outer(i, carry):
            j0 = i * 2
            for b in range(2):
                nb = 1 - b
                j = j0 + b

                drain_gather(b)

                @pl.when(j + 1 < n_steps)
                def _():
                    start_gather(j + 1, nb)

                @pl.when(j >= 2)
                def _():
                    out_copy(j - 2, b).wait()

                for sl in range(SPS):
                    sl_v = jnp.full((16,), sl, dtype=jnp.int32)

                    def transform(bl, c2, sl=sl, sl_v=sl_v):
                        bl_v = jnp.full((16,), bl, dtype=jnp.int32)
                        for c in range(D_MODEL // LANES):
                            v = gbuf[b][sl * CHUNK + bl, pl.ds(c * LANES, LANES)]
                            plsc.store_scatter(
                                obuf[b], [sl_v, dts[c], zero16, drs[c], bl_v],
                                v * SCALE_F,
                            )
                        return c2

                    lax.fori_loop(0, CHUNK, transform, 0, unroll=4)

                out_copy(j, b).start()
            return carry

        lax.fori_loop(0, n_steps // 2, outer, 0)
        out_copy(n_steps - 2, 0).wait()
        out_copy(n_steps - 1, 1).wait()

    return k(x4, embedding)


def kernel(x, embedding):
    x4 = x.T.reshape(N_S // 8, 8, NW, CHUNK).transpose(0, 2, 1, 3)
    p6 = _embed_lookup(x4, embedding)
    return p6.transpose(2, 4, 0, 1, 3).reshape(N_B, N_S, D_MODEL)

# --- scband reference (transcript-rebuilt; emitter-appended) ---
"""Pipeline reference for scband-input-embeddings2-d-52750788329611 (READ-ONLY COPY).

The authoritative reference and input builder live on the scoring server;
editing this copy changes nothing except your own understanding.
"""

import jax, jax.numpy as jnp
import numpy as np
import math

D_MODEL = 64
ACTION_SIZE = 1000000
SCALE = math.sqrt(D_MODEL)


def setup_inputs(seed: int = 0) -> dict:
    key = jax.random.key(seed)
    k1, k2 = jax.random.split(key)
    x = jax.random.randint(k1, (4096, 200), 0, ACTION_SIZE, dtype=jnp.int64 if jax.config.jax_enable_x64 else jnp.int32)
    embedding = jax.random.normal(k2, (ACTION_SIZE, D_MODEL), dtype=jnp.float32)
    return {"x": x, "embedding": embedding}


def reference(x, embedding):
    # nn.Embedding lookup followed by scale by sqrt(d_model)
    out = jnp.take(embedding, x, axis=0) * SCALE
    return out

if __name__ == "__main__":
    import jax
    _d = setup_inputs()
    print(jax.jit(kernel)(*tuple(_d.values())))

</pallas_src>

<mosaic_0001>
#map = affine_map<(d0, d1) -> (0, 0, 0, 0)>
#map1 = affine_map<(d0, d1) -> (0, 0)>
#map2 = affine_map<(d0, d1) -> (0, 0, 0, 0, 0)>
module attributes {stable_mosaic.version = 14 : i64} {
  func.func @k(%arg0: i32, %arg1: i32, %arg2: memref<25x32x8x128xi32, #tpu.memory_space<hbm>>, %arg3: memref<1000000x64xf32, #tpu.memory_space<hbm>>, %arg4: memref<200x8x32x8x128xf32, #tpu.memory_space<hbm>>, %arg5: memref<25x1x8x128xi32, #tpu.memory_space<vmem>>, %arg6: memref<256x64xf32, #tpu.memory_space<vmem>>, %arg7: memref<256x64xf32, #tpu.memory_space<vmem>>, %arg8: memref<2x8x1x8x129xf32, #tpu.memory_space<vmem>>, %arg9: memref<2x8x1x8x129xf32, #tpu.memory_space<vmem>>, %arg10: memref<!tpu.dma_semaphore, #tpu.memory_space<semaphore_mem>>, %arg11: memref<!tpu.dma_semaphore, #tpu.memory_space<semaphore_mem>>, %arg12: memref<!tpu.dma_semaphore, #tpu.memory_space<semaphore_mem>>, %arg13: memref<!tpu.dma_semaphore, #tpu.memory_space<semaphore_mem>>) attributes {dimension_semantics = [#tpu.dimension_semantics<core_parallel>, #tpu.dimension_semantics<subcore_parallel>], iteration_bounds = array<i64: 2, 16>, scalar_prefetch = 0 : i64, scratch_operands = 9 : i64, tpu.core_type = #tpu.core_type<sc_vector_subcore>, window_params = [{transform_indices = #map}, {transform_indices = #map1}, {transform_indices = #map2}]} {
    %mul3A = arith.constant 2 : i32
    %mul3A_0 = arith.muli %arg1, %mul3A : i32
    %add3A = arith.addi %mul3A_0, %arg0 : i32
    "tpu.region"() ({
      %run_scoped3A = tpu.sem_alloc : memref<!tpu.dma_semaphore, #tpu.memory_space<semaphore_mem>>
      %dma_start3A_294 = arith.constant 0 : i32
      %dma_start3A_295 = arith.constant 0 : i32
      %dma_start3A_296 = arith.constant 0 : i32
      %dma_start3A_297 = tpu.memref_slice %arg2[%dma_start3A_294, %add3A, %dma_start3A_295, %dma_start3A_296] : memref<25x32x8x128xi32, #tpu.memory_space<hbm>> -> memref<25x1x8x128xi32, #tpu.memory_space<hbm>>
      %dma_start3A_298 = arith.constant 0 : i32
      %dma_start3A_299 = arith.constant 0 : i32
      %dma_start3A_300 = arith.constant 0 : i32
      %dma_start3A_301 = tpu.memref_slice %arg2[%dma_start3A_298, %add3A, %dma_start3A_299, %dma_start3A_300] : memref<25x32x8x128xi32, #tpu.memory_space<hbm>> -> memref<25x1x8x128xi32, #tpu.memory_space<hbm>>
      tpu.enqueue_dma source(%dma_start3A_301 : memref<25x1x8x128xi32, #tpu.memory_space<hbm>>) target(%arg5 : memref<25x1x8x128xi32, #tpu.memory_space<vmem>>) target_semaphore(%run_scoped3A : memref<!tpu.dma_semaphore, #tpu.memory_space<semaphore_mem>>)
      %dma_wait3A_302 = arith.constant 0 : i32
      %dma_wait3A_303 = arith.constant 0 : i32
      %dma_wait3A_304 = arith.constant 0 : i32
      %dma_wait3A_305 = tpu.memref_slice %arg2[%dma_wait3A_302, %add3A, %dma_wait3A_303, %dma_wait3A_304] : memref<25x32x8x128xi32, #tpu.memory_space<hbm>> -> memref<25x1x8x128xi32, #tpu.memory_space<hbm>>
      %dma_wait3A_306 = arith.constant 0 : i32
      %dma_wait3A_307 = arith.constant 0 : i32
      %dma_wait3A_308 = arith.constant 0 : i32
      %dma_wait3A_309 = tpu.memref_slice %arg2[%dma_wait3A_306, %add3A, %dma_wait3A_307, %dma_wait3A_308] : memref<25x32x8x128xi32, #tpu.memory_space<hbm>> -> memref<25x1x8x128xi32, #tpu.memory_space<hbm>>
      tpu.wait_dma2 semaphore(%run_scoped3A : memref<!tpu.dma_semaphore, #tpu.memory_space<semaphore_mem>>) src(%dma_wait3A_309 : memref<25x1x8x128xi32, #tpu.memory_space<hbm>>) dst(%arg5 : memref<25x1x8x128xi32, #tpu.memory_space<vmem>>)
      tpu.yield
    }) : () -> ()
    %iota3A = tpu.iota {dimensions = array<i32: 0>} : vector<16xi32>
    %jit3A = arith.constant 8 : i32
    %div3A = vector.broadcast %jit3A : i32 to vector<16xi32>
    %div3A_1 = arith.divsi %iota3A, %div3A : vector<16xi32>
    %sign3A = arith.constant 0 : i32
    %sign3A_2 = vector.broadcast %sign3A : i32 to vector<16xi32>
    %sign3A_3 = arith.cmpi sgt, %iota3A, %sign3A_2 : vector<16xi32>
    %sign3A_4 = arith.extui %sign3A_3 : vector<16xi1> to vector<16xi32>
    %sign3A_5 = arith.constant 0 : i32
    %sign3A_6 = vector.broadcast %sign3A_5 : i32 to vector<16xi32>
    %sign3A_7 = arith.cmpi slt, %iota3A, %sign3A_6 : vector<16xi32>
    %sign3A_8 = arith.extui %sign3A_7 : vector<16xi1> to vector<16xi32>
    %sign3A_9 = arith.subi %sign3A_4, %sign3A_8 : vector<16xi32>
    %sign3A_10 = arith.constant 0 : i32
    %sign3A_11 = arith.cmpi sgt, %jit3A, %sign3A_10 : i32
    %sign3A_12 = arith.extui %sign3A_11 : i1 to i32
    %sign3A_13 = arith.constant 0 : i32
    %sign3A_14 = arith.cmpi slt, %jit3A, %sign3A_13 : i32
    %sign3A_15 = arith.extui %sign3A_14 : i1 to i32
    %sign3A_16 = arith.subi %sign3A_12, %sign3A_15 : i32
    %ne3A = vector.broadcast %sign3A_16 : i32 to vector<16xi32>
    %ne3A_17 = arith.cmpi ne, %sign3A_9, %ne3A : vector<16xi32>
    %rem3A = vector.broadcast %jit3A : i32 to vector<16xi32>
    %rem3A_18 = arith.remsi %iota3A, %rem3A : vector<16xi32>
    %ne3A_19 = arith.constant 0 : i32
    %ne3A_20 = vector.broadcast %ne3A_19 : i32 to vector<16xi32>
    %ne3A_21 = arith.cmpi ne, %rem3A_18, %ne3A_20 : vector<16xi32>
    %and3A = arith.andi %ne3A_17, %ne3A_21 : vector<16xi1>
    %sub3A = arith.constant 1 : i32
    %sub3A_22 = vector.broadcast %sub3A : i32 to vector<16xi32>
    %sub3A_23 = arith.subi %div3A_1, %sub3A_22 : vector<16xi32>
    %select_n3A = arith.select %and3A, %sub3A_23, %div3A_1 : vector<16xi1>, vector<16xi32>
    %add3A_24 = arith.constant 0 : i32
    %add3A_25 = vector.broadcast %add3A_24 : i32 to vector<16xi32>
    %add3A_26 = arith.addi %select_n3A, %add3A_25 : vector<16xi32>
    %iota3A_27 = tpu.iota {dimensions = array<i32: 0>} : vector<16xi32>
    %jit3A_28 = arith.constant 8 : i32
    %div3A_29 = vector.broadcast %jit3A_28 : i32 to vector<16xi32>
    %div3A_30 = arith.divsi %iota3A_27, %div3A_29 : vector<16xi32>
    %sign3A_31 = arith.constant 0 : i32
    %sign3A_32 = vector.broadcast %sign3A_31 : i32 to vector<16xi32>
    %sign3A_33 = arith.cmpi sgt, %iota3A_27, %sign3A_32 : vector<16xi32>
    %sign3A_34 = arith.extui %sign3A_33 : vector<16xi1> to vector<16xi32>
    %sign3A_35 = arith.constant 0 : i32
    %sign3A_36 = vector.broadcast %sign3A_35 : i32 to vector<16xi32>
    %sign3A_37 = arith.cmpi slt, %iota3A_27, %sign3A_36 : vector<16xi32>
    %sign3A_38 = arith.extui %sign3A_37 : vector<16xi1> to vector<16xi32>
    %sign3A_39 = arith.subi %sign3A_34, %sign3A_38 : vector<16xi32>
    %sign3A_40 = arith.constant 0 : i32
    %sign3A_41 = arith.cmpi sgt, %jit3A_28, %sign3A_40 : i32
    %sign3A_42 = arith.extui %sign3A_41 : i1 to i32
    %sign3A_43 = arith.constant 0 : i32
    %sign3A_44 = arith.cmpi slt, %jit3A_28, %sign3A_43 : i32
    %sign3A_45 = arith.extui %sign3A_44 : i1 to i32
    %sign3A_46 = arith.subi %sign3A_42, %sign3A_45 : i32
    %ne3A_47 = vector.broadcast %sign3A_46 : i32 to vector<16xi32>
    %ne3A_48 = arith.cmpi ne, %sign3A_39, %ne3A_47 : vector<16xi32>
    %rem3A_49 = vector.broadcast %jit3A_28 : i32 to vector<16xi32>
    %rem3A_50 = arith.remsi %iota3A_27, %rem3A_49 : vector<16xi32>
    %ne3A_51 = arith.constant 0 : i32
    %ne3A_52 = vector.broadcast %ne3A_51 : i32 to vector<16xi32>
    %ne3A_53 = arith.cmpi ne, %rem3A_50, %ne3A_52 : vector<16xi32>
    %and3A_54 = arith.andi %ne3A_48, %ne3A_53 : vector<16xi1>
    %sub3A_55 = arith.constant 1 : i32
    %sub3A_56 = vector.broadcast %sub3A_55 : i32 to vector<16xi32>
    %sub3A_57 = arith.subi %div3A_30, %sub3A_56 : vector<16xi32>
    %select_n3A_58 = arith.select %and3A_54, %sub3A_57, %div3A_30 : vector<16xi1>, vector<16xi32>
    %add3A_59 = arith.constant 2 : i32
    %add3A_60 = vector.broadcast %add3A_59 : i32 to vector<16xi32>
    %add3A_61 = arith.addi %select_n3A_58, %add3A_60 : vector<16xi32>
    %iota3A_62 = tpu.iota {dimensions = array<i32: 0>} : vector<16xi32>
    %jit3A_63 = arith.constant 8 : i32
    %div3A_64 = vector.broadcast %jit3A_63 : i32 to vector<16xi32>
    %div3A_65 = arith.divsi %iota3A_62, %div3A_64 : vector<16xi32>
    %sign3A_66 = arith.constant 0 : i32
    %sign3A_67 = vector.broadcast %sign3A_66 : i32 to vector<16xi32>
    %sign3A_68 = arith.cmpi sgt, %iota3A_62, %sign3A_67 : vector<16xi32>
    %sign3A_69 = arith.extui %sign3A_68 : vector<16xi1> to vector<16xi32>
    %sign3A_70 = arith.constant 0 : i32
    %sign3A_71 = vector.broadcast %sign3A_70 : i32 to vector<16xi32>
    %sign3A_72 = arith.cmpi slt, %iota3A_62, %sign3A_71 : vector<16xi32>
    %sign3A_73 = arith.extui %sign3A_72 : vector<16xi1> to vector<16xi32>
    %sign3A_74 = arith.subi %sign3A_69, %sign3A_73 : vector<16xi32>
    %sign3A_75 = arith.constant 0 : i32
    %sign3A_76 = arith.cmpi sgt, %jit3A_63, %sign3A_75 : i32
    %sign3A_77 = arith.extui %sign3A_76 : i1 to i32
    %sign3A_78 = arith.constant 0 : i32
    %sign3A_79 = arith.cmpi slt, %jit3A_63, %sign3A_78 : i32
    %sign3A_80 = arith.extui %sign3A_79 : i1 to i32
    %sign3A_81 = arith.subi %sign3A_77, %sign3A_80 : i32
    %ne3A_82 = vector.broadcast %sign3A_81 : i32 to vector<16xi32>
    %ne3A_83 = arith.cmpi ne, %sign3A_74, %ne3A_82 : vector<16xi32>
    %rem3A_84 = vector.broadcast %jit3A_63 : i32 to vector<16xi32>
    %rem3A_85 = arith.remsi %iota3A_62, %rem3A_84 : vector<16xi32>
    %ne3A_86 = arith.constant 0 : i32
    %ne3A_87 = vector.broadcast %ne3A_86 : i32 to vector<16xi32>
    %ne3A_88 = arith.cmpi ne, %rem3A_85, %ne3A_87 : vector<16xi32>
    %and3A_89 = arith.andi %ne3A_83, %ne3A_88 : vector<16xi1>
    %sub3A_90 = arith.constant 1 : i32
    %sub3A_91 = vector.broadcast %sub3A_90 : i32 to vector<16xi32>
    %sub3A_92 = arith.subi %div3A_65, %sub3A_91 : vector<16xi32>
    %select_n3A_93 = arith.select %and3A_89, %sub3A_92, %div3A_65 : vector<16xi1>, vector<16xi32>
    %add3A_94 = arith.constant 4 : i32
    %add3A_95 = vector.broadcast %add3A_94 : i32 to vector<16xi32>
    %add3A_96 = arith.addi %select_n3A_93, %add3A_95 : vector<16xi32>
    %iota3A_97 = tpu.iota {dimensions = array<i32: 0>} : vector<16xi32>
    %jit3A_98 = arith.constant 8 : i32
    %div3A_99 = vector.broadcast %jit3A_98 : i32 to vector<16xi32>
    %div3A_100 = arith.divsi %iota3A_97, %div3A_99 : vector<16xi32>
    %sign3A_101 = arith.constant 0 : i32
    %sign3A_102 = vector.broadcast %sign3A_101 : i32 to vector<16xi32>
    %sign3A_103 = arith.cmpi sgt, %iota3A_97, %sign3A_102 : vector<16xi32>
    %sign3A_104 = arith.extui %sign3A_103 : vector<16xi1> to vector<16xi32>
    %sign3A_105 = arith.constant 0 : i32
    %sign3A_106 = vector.broadcast %sign3A_105 : i32 to vector<16xi32>
    %sign3A_107 = arith.cmpi slt, %iota3A_97, %sign3A_106 : vector<16xi32>
    %sign3A_108 = arith.extui %sign3A_107 : vector<16xi1> to vector<16xi32>
    %sign3A_109 = arith.subi %sign3A_104, %sign3A_108 : vector<16xi32>
    %sign3A_110 = arith.constant 0 : i32
    %sign3A_111 = arith.cmpi sgt, %jit3A_98, %sign3A_110 : i32
    %sign3A_112 = arith.extui %sign3A_111 : i1 to i32
    %sign3A_113 = arith.constant 0 : i32
    %sign3A_114 = arith.cmpi slt, %jit3A_98, %sign3A_113 : i32
    %sign3A_115 = arith.extui %sign3A_114 : i1 to i32
    %sign3A_116 = arith.subi %sign3A_112, %sign3A_115 : i32
    %ne3A_117 = vector.broadcast %sign3A_116 : i32 to vector<16xi32>
    %ne3A_118 = arith.cmpi ne, %sign3A_109, %ne3A_117 : vector<16xi32>
    %rem3A_119 = vector.broadcast %jit3A_98 : i32 to vector<16xi32>
    %rem3A_120 = arith.remsi %iota3A_97, %rem3A_119 : vector<16xi32>
    %ne3A_121 = arith.constant 0 : i32
    %ne3A_122 = vector.broadcast %ne3A_121 : i32 to vector<16xi32>
    %ne3A_123 = arith.cmpi ne, %rem3A_120, %ne3A_122 : vector<16xi32>
    %and3A_124 = arith.andi %ne3A_118, %ne3A_123 : vector<16xi1>
    %sub3A_125 = arith.constant 1 : i32
    %sub3A_126 = vector.broadcast %sub3A_125 : i32 to vector<16xi32>
    %sub3A_127 = arith.subi %div3A_100, %sub3A_126 : vector<16xi32>
    %select_n3A_128 = arith.select %and3A_124, %sub3A_127, %div3A_100 : vector<16xi1>, vector<16xi32>
    %add3A_129 = arith.constant 6 : i32
    %add3A_130 = vector.broadcast %add3A_129 : i32 to vector<16xi32>
    %add3A_131 = arith.addi %select_n3A_128, %add3A_130 : vector<16xi32>
    %iota3A_132 = tpu.iota {dimensions = array<i32: 0>} : vector<16xi32>
    %jit3A_133 = arith.constant 8 : i32
    %eq3A = arith.constant 0 : i32
    %eq3A_134 = arith.cmpi eq, %jit3A_133, %eq3A : i32
    %jit3A_135 = arith.constant 1 : i32
    %select_n3A_136 = arith.select %eq3A_134, %jit3A_135, %jit3A_133 : i32
    %rem3A_137 = vector.broadcast %select_n3A_136 : i32 to vector<16xi32>
    %rem3A_138 = arith.remsi %iota3A_132, %rem3A_137 : vector<16xi32>
    %ne3A_139 = arith.constant 0 : i32
    %ne3A_140 = vector.broadcast %ne3A_139 : i32 to vector<16xi32>
    %ne3A_141 = arith.cmpi ne, %rem3A_138, %ne3A_140 : vector<16xi32>
    %lt3A = arith.constant 0 : i32
    %lt3A_142 = vector.broadcast %lt3A : i32 to vector<16xi32>
    %lt3A_143 = arith.cmpi slt, %rem3A_138, %lt3A_142 : vector<16xi32>
    %lt3A_144 = arith.constant 0 : i32
    %lt3A_145 = arith.cmpi slt, %select_n3A_136, %lt3A_144 : i32
    %ne3A_146 = vector.broadcast %lt3A_145 : i1 to vector<16xi1>
    %ne3A_147 = vector.broadcast %ne3A_146 : vector<16xi1> to vector<16xi1>
    %ne3A_148 = arith.xori %lt3A_143, %ne3A_147 : vector<16xi1>
    %and3A_149 = arith.andi %ne3A_148, %ne3A_141 : vector<16xi1>
    %add3A_150 = vector.broadcast %select_n3A_136 : i32 to vector<16xi32>
    %add3A_151 = arith.addi %rem3A_138, %add3A_150 : vector<16xi32>
    %select_n3A_152 = arith.select %and3A_149, %add3A_151, %rem3A_138 : vector<16xi1>, vector<16xi32>
    %iota3A_153 = tpu.iota {dimensions = array<i32: 0>} : vector<16xi32>
    %jit3A_154 = arith.constant 8 : i32
    %eq3A_155 = arith.constant 0 : i32
    %eq3A_156 = arith.cmpi eq, %jit3A_154, %eq3A_155 : i32
    %jit3A_157 = arith.constant 1 : i32
    %select_n3A_158 = arith.select %eq3A_156, %jit3A_157, %jit3A_154 : i32
    %rem3A_159 = vector.broadcast %select_n3A_158 : i32 to vector<16xi32>
    %rem3A_160 = arith.remsi %iota3A_153, %rem3A_159 : vector<16xi32>
    %ne3A_161 = arith.constant 0 : i32
    %ne3A_162 = vector.broadcast %ne3A_161 : i32 to vector<16xi32>
    %ne3A_163 = arith.cmpi ne, %rem3A_160, %ne3A_162 : vector<16xi32>
    %lt3A_164 = arith.constant 0 : i32
    %lt3A_165 = vector.broadcast %lt3A_164 : i32 to vector<16xi32>
    %lt3A_166 = arith.cmpi slt, %rem3A_160, %lt3A_165 : vector<16xi32>
    %lt3A_167 = arith.constant 0 : i32
    %lt3A_168 = arith.cmpi slt, %select_n3A_158, %lt3A_167 : i32
    %ne3A_169 = vector.broadcast %lt3A_168 : i1 to vector<16xi1>
    %ne3A_170 = vector.broadcast %ne3A_169 : vector<16xi1> to vector<16xi1>
    %ne3A_171 = arith.xori %lt3A_166, %ne3A_170 : vector<16xi1>
    %and3A_172 = arith.andi %ne3A_171, %ne3A_163 : vector<16xi1>
    %add3A_173 = vector.broadcast %select_n3A_158 : i32 to vector<16xi32>
    %add3A_174 = arith.addi %rem3A_160, %add3A_173 : vector<16xi32>
    %select_n3A_175 = arith.select %and3A_172, %add3A_174, %rem3A_160 : vector<16xi1>, vector<16xi32>
    %iota3A_176 = tpu.iota {dimensions = array<i32: 0>} : vector<16xi32>
    %jit3A_177 = arith.constant 8 : i32
    %eq3A_178 = arith.constant 0 : i32
    %eq3A_179 = arith.cmpi eq, %jit3A_177, %eq3A_178 : i32
    %jit3A_180 = arith.constant 1 : i32
    %select_n3A_181 = arith.select %eq3A_179, %jit3A_180, %jit3A_177 : i32
    %rem3A_182 = vector.broadcast %select_n3A_181 : i32 to vector<16xi32>
    %rem3A_183 = arith.remsi %iota3A_176, %rem3A_182 : vector<16xi32>
    %ne3A_184 = arith.constant 0 : i32
    %ne3A_185 = vector.broadcast %ne3A_184 : i32 to vector<16xi32>
    %ne3A_186 = arith.cmpi ne, %rem3A_183, %ne3A_185 : vector<16xi32>
    %lt3A_187 = arith.constant 0 : i32
    %lt3A_188 = vector.broadcast %lt3A_187 : i32 to vector<16xi32>
    %lt3A_189 = arith.cmpi slt, %rem3A_183, %lt3A_188 : vector<16xi32>
    %lt3A_190 = arith.constant 0 : i32
    %lt3A_191 = arith.cmpi slt, %select_n3A_181, %lt3A_190 : i32
    %ne3A_192 = vector.broadcast %lt3A_191 : i1 to vector<16xi1>
    %ne3A_193 = vector.broadcast %ne3A_192 : vector<16xi1> to vector<16xi1>
    %ne3A_194 = arith.xori %lt3A_189, %ne3A_193 : vector<16xi1>
    %and3A_195 = arith.andi %ne3A_194, %ne3A_186 : vector<16xi1>
    %add3A_196 = vector.broadcast %select_n3A_181 : i32 to vector<16xi32>
    %add3A_197 = arith.addi %rem3A_183, %add3A_196 : vector<16xi32>
    %select_n3A_198 = arith.select %and3A_195, %add3A_197, %rem3A_183 : vector<16xi1>, vector<16xi32>
    %iota3A_199 = tpu.iota {dimensions = array<i32: 0>} : vector<16xi32>
    %jit3A_200 = arith.constant 8 : i32
    %eq3A_201 = arith.constant 0 : i32
    %eq3A_202 = arith.cmpi eq, %jit3A_200, %eq3A_201 : i32
    %jit3A_203 = arith.constant 1 : i32
    %select_n3A_204 = arith.select %eq3A_202, %jit3A_203, %jit3A_200 : i32
    %rem3A_205 = vector.broadcast %select_n3A_204 : i32 to vector<16xi32>
    %rem3A_206 = arith.remsi %iota3A_199, %rem3A_205 : vector<16xi32>
    %ne3A_207 = arith.constant 0 : i32
    %ne3A_208 = vector.broadcast %ne3A_207 : i32 to vector<16xi32>
    %ne3A_209 = arith.cmpi ne, %rem3A_206, %ne3A_208 : vector<16xi32>
    %lt3A_210 = arith.constant 0 : i32
    %lt3A_211 = vector.broadcast %lt3A_210 : i32 to vector<16xi32>
    %lt3A_212 = arith.cmpi slt, %rem3A_206, %lt3A_211 : vector<16xi32>
    %lt3A_213 = arith.constant 0 : i32
    %lt3A_214 = arith.cmpi slt, %select_n3A_204, %lt3A_213 : i32
    %ne3A_215 = vector.broadcast %lt3A_214 : i1 to vector<16xi1>
    %ne3A_216 = vector.broadcast %ne3A_215 : vector<16xi1> to vector<16xi1>
    %ne3A_217 = arith.xori %lt3A_212, %ne3A_216 : vector<16xi1>
    %and3A_218 = arith.andi %ne3A_217, %ne3A_209 : vector<16xi1>
    %add3A_219 = vector.broadcast %select_n3A_204 : i32 to vector<16xi32>
    %add3A_220 = arith.addi %rem3A_206, %add3A_219 : vector<16xi32>
    %select_n3A_221 = arith.select %and3A_218, %add3A_220, %rem3A_206 : vector<16xi1>, vector<16xi32>
    %broadcast_in_dim3A = arith.constant 0 : i32
    %broadcast_in_dim3A_222 = vector.broadcast %broadcast_in_dim3A : i32 to vector<16xi32>
    %dma_start3A = arith.constant 0 : i32
    %dma_start3A_223 = arith.constant 0 : i32
    %dma_start3A_224 = arith.constant 0 : i32
    %dma_start3A_225 = arith.constant 0 : i32
    %dma_start3A_226 = arith.constant 0 : i32
    %dma_start3A_227 = tpu.memref_slice %arg6[%dma_start3A_225, %dma_start3A_226] : memref<256x64xf32, #tpu.memory_space<vmem>> -> memref<128x64xf32, #tpu.memory_space<vmem>>
    %dma_start3A_228 = arith.constant 0 : i32
    %dma_start3A_229 = tpu.memref_slice %arg5[%dma_start3A, %dma_start3A_223, %dma_start3A_224, %dma_start3A_228] : memref<25x1x8x128xi32, #tpu.memory_space<vmem>> -> memref<1x1x1x128xi32, #tpu.memory_space<vmem>>
    %dma_start3A_230 = tpu.memref_squeeze %dma_start3A_229 : memref<1x1x1x128xi32, #tpu.memory_space<vmem>> -> memref<128xi32, #tpu.memory_space<vmem>>
    %dma_start3A_231 = arith.constant 0 : i32
    %dma_start3A_232 = arith.constant 0 : i32
    %dma_start3A_233 = tpu.memref_slice %arg3[%dma_start3A_231, %dma_start3A_232] : memref<1000000x64xf32, #tpu.memory_space<hbm>> -> memref<1000000x64xf32, #tpu.memory_space<hbm>>
    tpu.enqueue_indirect_dma source(%dma_start3A_233 : memref<1000000x64xf32, #tpu.memory_space<hbm>>) target(%dma_start3A_227 : memref<128x64xf32, #tpu.memory_space<vmem>>) offsets(%dma_start3A_230 : memref<128xi32, #tpu.memory_space<vmem>>) semaphore(%arg10 : memref<!tpu.dma_semaphore, #tpu.memory_space<semaphore_mem>>)
    %dma_start3A_234 = arith.constant 0 : i32
    %dma_start3A_235 = arith.constant 0 : i32
    %dma_start3A_236 = arith.constant 1 : i32
    %dma_start3A_237 = arith.constant 128 : i32
    %dma_start3A_238 = arith.constant 0 : i32
    %dma_start3A_239 = tpu.memref_slice %arg6[%dma_start3A_237, %dma_start3A_238] : memref<256x64xf32, #tpu.memory_space<vmem>> -> memref<128x64xf32, #tpu.memory_space<vmem>>
    %dma_start3A_240 = arith.constant 0 : i32
    %dma_start3A_241 = tpu.memref_slice %arg5[%dma_start3A_234, %dma_start3A_235, %dma_start3A_236, %dma_start3A_240] : memref<25x1x8x128xi32, #tpu.memory_space<vmem>> -> memref<1x1x1x128xi32, #tpu.memory_space<vmem>>
    %dma_start3A_242 = tpu.memref_squeeze %dma_start3A_241 : memref<1x1x1x128xi32, #tpu.memory_space<vmem>> -> memref<128xi32, #tpu.memory_space<vmem>>
    %dma_start3A_243 = arith.constant 0 : i32
    %dma_start3A_244 = arith.constant 0 : i32
    %dma_start3A_245 = tpu.memref_slice %arg3[%dma_start3A_243, %dma_start3A_244] : memref<1000000x64xf32, #tpu.memory_space<hbm>> -> memref<1000000x64xf32, #tpu.memory_space<hbm>>
    tpu.enqueue_indirect_dma source(%dma_start3A_245 : memref<1000000x64xf32, #tpu.memory_space<hbm>>) target(%dma_start3A_239 : memref<128x64xf32, #tpu.memory_space<vmem>>) offsets(%dma_start3A_242 : memref<128xi32, #tpu.memory_space<vmem>>) semaphore(%arg10 : memref<!tpu.dma_semaphore, #tpu.memory_space<semaphore_mem>>)
    %scan3A = arith.constant 0 : i32
    %scan3A_246 = arith.constant 0 : i32
    %scan3A_247 = arith.constant 50 : i32
    %scan3A_248 = arith.addi %scan3A_246, %scan3A_247 : i32
    %scan3A_249 = arith.constant 1 : i32
    scf.for %scan3A_294 = %scan3A_246 to %scan3A_248 step %scan3A_249  : i32 {
      %mul3A_295 = arith.constant 2 : i32
      %mul3A_296 = arith.muli %scan3A_294, %mul3A_295 : i32
      %add3A_297 = arith.constant 0 : i32
      %add3A_298 = arith.addi %mul3A_296, %add3A_297 : i32
      %dma_wait3A_299 = arith.constant 0 : i32
      %dma_wait3A_300 = arith.constant 0 : i32
      %dma_wait3A_301 = tpu.memref_slice %arg3[%dma_wait3A_299, %dma_wait3A_300] : memref<1000000x64xf32, #tpu.memory_space<hbm>> -> memref<256x64xf32, #tpu.memory_space<hbm>>
      %dma_wait3A_302 = arith.constant 0 : i32
      %dma_wait3A_303 = arith.constant 0 : i32
      %dma_wait3A_304 = tpu.memref_slice %arg3[%dma_wait3A_302, %dma_wait3A_303] : memref<1000000x64xf32, #tpu.memory_space<hbm>> -> memref<256x64xf32, #tpu.memory_space<hbm>>
      tpu.wait_dma2 semaphore(%arg10 : memref<!tpu.dma_semaphore, #tpu.memory_space<semaphore_mem>>) src(%dma_wait3A_304 : memref<256x64xf32, #tpu.memory_space<hbm>>) dst(%arg6 : memref<256x64xf32, #tpu.memory_space<vmem>>)
      %add3A_305 = arith.constant 1 : i32
      %add3A_306 = arith.addi %add3A_298, %add3A_305 : i32
      %lt3A_307 = arith.constant 100 : i32
      %lt3A_308 = arith.cmpi slt, %add3A_306, %lt3A_307 : i32
      %convert_element_type3A = arith.extui %lt3A_308 : i1 to i32
      %cond3A = arith.constant 0 : i32
      %cond3A_309 = arith.cmpi ne, %convert_element_type3A, %cond3A : i32
      scf.if %cond3A_309 {
        %add3A_410 = arith.constant 1 : i32
        %add3A_411 = arith.addi %add3A_298, %add3A_410 : i32
        %mul3A_412 = arith.constant 2 : i32
        %mul3A_413 = arith.muli %add3A_411, %mul3A_412 : i32
        %add3A_414 = arith.constant 0 : i32
        %add3A_415 = arith.addi %mul3A_413, %add3A_414 : i32
        %jit3A_416 = arith.constant 8 : i32
        %div3A_417 = arith.divsi %add3A_415, %jit3A_416 : i32
        %sign3A_418 = arith.constant 0 : i32
        %sign3A_419 = arith.cmpi sgt, %add3A_415, %sign3A_418 : i32
        %sign3A_420 = arith.extui %sign3A_419 : i1 to i32
        %sign3A_421 = arith.constant 0 : i32
        %sign3A_422 = arith.cmpi slt, %add3A_415, %sign3A_421 : i32
        %sign3A_423 = arith.extui %sign3A_422 : i1 to i32
        %sign3A_424 = arith.subi %sign3A_420, %sign3A_423 : i32
        %sign3A_425 = arith.constant 0 : i32
        %sign3A_426 = arith.cmpi sgt, %jit3A_416, %sign3A_425 : i32
        %sign3A_427 = arith.extui %sign3A_426 : i1 to i32
        %sign3A_428 = arith.constant 0 : i32
        %sign3A_429 = arith.cmpi slt, %jit3A_416, %sign3A_428 : i32
        %sign3A_430 = arith.extui %sign3A_429 : i1 to i32
        %sign3A_431 = arith.subi %sign3A_427, %sign3A_430 : i32
        %ne3A_432 = arith.cmpi ne, %sign3A_424, %sign3A_431 : i32
        %rem3A_433 = arith.remsi %add3A_415, %jit3A_416 : i32
        %ne3A_434 = arith.constant 0 : i32
        %ne3A_435 = arith.cmpi ne, %rem3A_433, %ne3A_434 : i32
        %and3A_436 = arith.andi %ne3A_432, %ne3A_435 : i1
        %sub3A_437 = arith.constant 1 : i32
        %sub3A_438 = arith.subi %div3A_417, %sub3A_437 : i32
        %select_n3A_439 = arith.select %and3A_436, %sub3A_438, %div3A_417 : i32
        %jit3A_440 = arith.constant 8 : i32
        %eq3A_441 = arith.constant 0 : i32
        %eq3A_442 = arith.cmpi eq, %jit3A_440, %eq3A_441 : i32
        %jit3A_443 = arith.constant 1 : i32
        %select_n3A_444 = arith.select %eq3A_442, %jit3A_443, %jit3A_440 : i32
        %rem3A_445 = arith.remsi %add3A_415, %select_n3A_444 : i32
        %ne3A_446 = arith.constant 0 : i32
        %ne3A_447 = arith.cmpi ne, %rem3A_445, %ne3A_446 : i32
        %lt3A_448 = arith.constant 0 : i32
        %lt3A_449 = arith.cmpi slt, %rem3A_445, %lt3A_448 : i32
        %lt3A_450 = arith.constant 0 : i32
        %lt3A_451 = arith.cmpi slt, %select_n3A_444, %lt3A_450 : i32
        %ne3A_452 = arith.xori %lt3A_449, %lt3A_451 : i1
        %and3A_453 = arith.andi %ne3A_452, %ne3A_447 : i1
        %add3A_454 = arith.addi %rem3A_445, %select_n3A_444 : i32
        %select_n3A_455 = arith.select %and3A_453, %add3A_454, %rem3A_445 : i32
        %dma_start3A_456 = arith.constant 0 : i32
        %dma_start3A_457 = arith.constant 0 : i32
        %dma_start3A_458 = arith.constant 0 : i32
        %dma_start3A_459 = tpu.memref_slice %arg7[%dma_start3A_457, %dma_start3A_458] : memref<256x64xf32, #tpu.memory_space<vmem>> -> memref<128x64xf32, #tpu.memory_space<vmem>>
        %dma_start3A_460 = arith.constant 0 : i32
        %dma_start3A_461 = tpu.memref_slice %arg5[%select_n3A_439, %dma_start3A_456, %select_n3A_455, %dma_start3A_460] : memref<25x1x8x128xi32, #tpu.memory_space<vmem>> -> memref<1x1x1x128xi32, #tpu.memory_space<vmem>>
        %dma_start3A_462 = tpu.memref_squeeze %dma_start3A_461 : memref<1x1x1x128xi32, #tpu.memory_space<vmem>> -> memref<128xi32, #tpu.memory_space<vmem>>
        %dma_start3A_463 = arith.constant 0 : i32
        %dma_start3A_464 = arith.constant 0 : i32
        %dma_start3A_465 = tpu.memref_slice %arg3[%dma_start3A_463, %dma_start3A_464] : memref<1000000x64xf32, #tpu.memory_space<hbm>> -> memref<1000000x64xf32, #tpu.memory_space<hbm>>
        tpu.enqueue_indirect_dma source(%dma_start3A_465 : memref<1000000x64xf32, #tpu.memory_space<hbm>>) target(%dma_start3A_459 : memref<128x64xf32, #tpu.memory_space<vmem>>) offsets(%dma_start3A_462 : memref<128xi32, #tpu.memory_space<vmem>>) semaphore(%arg11 : memref<!tpu.dma_semaphore, #tpu.memory_space<semaphore_mem>>)
        %mul3A_466 = arith.constant 2 : i32
        %mul3A_467 = arith.muli %add3A_411, %mul3A_466 : i32
        %add3A_468 = arith.constant 1 : i32
        %add3A_469 = arith.addi %mul3A_467, %add3A_468 : i32
        %jit3A_470 = arith.constant 8 : i32
        %div3A_471 = arith.divsi %add3A_469, %jit3A_470 : i32
        %sign3A_472 = arith.constant 0 : i32
        %sign3A_473 = arith.cmpi sgt, %add3A_469, %sign3A_472 : i32
        %sign3A_474 = arith.extui %sign3A_473 : i1 to i32
        %sign3A_475 = arith.constant 0 : i32
        %sign3A_476 = arith.cmpi slt, %add3A_469, %sign3A_475 : i32
        %sign3A_477 = arith.extui %sign3A_476 : i1 to i32
        %sign3A_478 = arith.subi %sign3A_474, %sign3A_477 : i32
        %sign3A_479 = arith.constant 0 : i32
        %sign3A_480 = arith.cmpi sgt, %jit3A_470, %sign3A_479 : i32
        %sign3A_481 = arith.extui %sign3A_480 : i1 to i32
        %sign3A_482 = arith.constant 0 : i32
        %sign3A_483 = arith.cmpi slt, %jit3A_470, %sign3A_482 : i32
        %sign3A_484 = arith.extui %sign3A_483 : i1 to i32
        %sign3A_485 = arith.subi %sign3A_481, %sign3A_484 : i32
        %ne3A_486 = arith.cmpi ne, %sign3A_478, %sign3A_485 : i32
        %rem3A_487 = arith.remsi %add3A_469, %jit3A_470 : i32
        %ne3A_488 = arith.constant 0 : i32
        %ne3A_489 = arith.cmpi ne, %rem3A_487, %ne3A_488 : i32
        %and3A_490 = arith.andi %ne3A_486, %ne3A_489 : i1
        %sub3A_491 = arith.constant 1 : i32
        %sub3A_492 = arith.subi %div3A_471, %sub3A_491 : i32
        %select_n3A_493 = arith.select %and3A_490, %sub3A_492, %div3A_471 : i32
        %jit3A_494 = arith.constant 8 : i32
        %eq3A_495 = arith.constant 0 : i32
        %eq3A_496 = arith.cmpi eq, %jit3A_494, %eq3A_495 : i32
        %jit3A_497 = arith.constant 1 : i32
        %select_n3A_498 = arith.select %eq3A_496, %jit3A_497, %jit3A_494 : i32
        %rem3A_499 = arith.remsi %add3A_469, %select_n3A_498 : i32
        %ne3A_500 = arith.constant 0 : i32
        %ne3A_501 = arith.cmpi ne, %rem3A_499, %ne3A_500 : i32
        %lt3A_502 = arith.constant 0 : i32
        %lt3A_503 = arith.cmpi slt, %rem3A_499, %lt3A_502 : i32
        %lt3A_504 = arith.constant 0 : i32
        %lt3A_505 = arith.cmpi slt, %select_n3A_498, %lt3A_504 : i32
        %ne3A_506 = arith.xori %lt3A_503, %lt3A_505 : i1
        %and3A_507 = arith.andi %ne3A_506, %ne3A_501 : i1
        %add3A_508 = arith.addi %rem3A_499, %select_n3A_498 : i32
        %select_n3A_509 = arith.select %and3A_507, %add3A_508, %rem3A_499 : i32
        %dma_start3A_510 = arith.constant 0 : i32
        %dma_start3A_511 = arith.constant 128 : i32
        %dma_start3A_512 = arith.constant 0 : i32
        %dma_start3A_513 = tpu.memref_slice %arg7[%dma_start3A_511, %dma_start3A_512] : memref<256x64xf32, #tpu.memory_space<vmem>> -> memref<128x64xf32, #tpu.memory_space<vmem>>
        %dma_start3A_514 = arith.constant 0 : i32
        %dma_start3A_515 = tpu.memref_slice %arg5[%select_n3A_493, %dma_start3A_510, %select_n3A_509, %dma_start3A_514] : memref<25x1x8x128xi32, #tpu.memory_space<vmem>> -> memref<1x1x1x128xi32, #tpu.memory_space<vmem>>
        %dma_start3A_516 = tpu.memref_squeeze %dma_start3A_515 : memref<1x1x1x128xi32, #tpu.memory_space<vmem>> -> memref<128xi32, #tpu.memory_space<vmem>>
        %dma_start3A_517 = arith.constant 0 : i32
        %dma_start3A_518 = arith.constant 0 : i32
        %dma_start3A_519 = tpu.memref_slice %arg3[%dma_start3A_517, %dma_start3A_518] : memref<1000000x64xf32, #tpu.memory_space<hbm>> -> memref<1000000x64xf32, #tpu.memory_space<hbm>>
        tpu.enqueue_indirect_dma source(%dma_start3A_519 : memref<1000000x64xf32, #tpu.memory_space<hbm>>) target(%dma_start3A_513 : memref<128x64xf32, #tpu.memory_space<vmem>>) offsets(%dma_start3A_516 : memref<128xi32, #tpu.memory_space<vmem>>) semaphore(%arg11 : memref<!tpu.dma_semaphore, #tpu.memory_space<semaphore_mem>>)
      } else {
      }
      %ge3A = arith.constant 2 : i32
      %ge3A_310 = arith.cmpi sge, %add3A_298, %ge3A : i32
      %convert_element_type3A_311 = arith.extui %ge3A_310 : i1 to i32
      %cond3A_312 = arith.constant 0 : i32
      %cond3A_313 = arith.cmpi ne, %convert_element_type3A_311, %cond3A_312 : i32
      scf.if %cond3A_313 {
        %sub3A_410 = arith.constant 2 : i32
        %sub3A_411 = arith.subi %add3A_298, %sub3A_410 : i32
        %mul3A_412 = arith.constant 2 : i32
        %mul3A_413 = arith.muli %sub3A_411, %mul3A_412 : i32
        %dma_wait3A_414 = arith.constant 0 : i32
        %dma_wait3A_415 = arith.constant 0 : i32
        %dma_wait3A_416 = arith.constant 0 : i32
        %dma_wait3A_417 = arith.constant 0 : i32
        %dma_wait3A_418 = arith.constant 0 : i32
        %dma_wait3A_419 = tpu.memref_slice %arg8[%dma_wait3A_414, %dma_wait3A_415, %dma_wait3A_416, %dma_wait3A_417, %dma_wait3A_418] : memref<2x8x1x8x129xf32, #tpu.memory_space<vmem>> -> memref<2x8x1x8x128xf32, #tpu.memory_space<vmem>>
        %dma_wait3A_420 = arith.constant 0 : i32
        %dma_wait3A_421 = arith.constant 0 : i32
        %dma_wait3A_422 = arith.constant 0 : i32
        %dma_wait3A_423 = tpu.memref_slice %arg4[%mul3A_413, %dma_wait3A_420, %add3A, %dma_wait3A_421, %dma_wait3A_422] : memref<200x8x32x8x128xf32, #tpu.memory_space<hbm>> -> memref<2x8x1x8x128xf32, #tpu.memory_space<hbm>>
        %dma_wait3A_424 = arith.constant 0 : i32
        %dma_wait3A_425 = arith.constant 0 : i32
        %dma_wait3A_426 = arith.constant 0 : i32
        %dma_wait3A_427 = tpu.memref_slice %arg4[%mul3A_413, %dma_wait3A_424, %add3A, %dma_wait3A_425, %dma_wait3A_426] : memref<200x8x32x8x128xf32, #tpu.memory_space<hbm>> -> memref<2x8x1x8x128xf32, #tpu.memory_space<hbm>>
        %dma_wait3A_428 = arith.constant 0 : i32
        %dma_wait3A_429 = arith.constant 0 : i32
        %dma_wait3A_430 = arith.constant 0 : i32
        %dma_wait3A_431 = arith.constant 0 : i32
        %dma_wait3A_432 = arith.constant 0 : i32
        %dma_wait3A_433 = tpu.memref_slice %arg8[%dma_wait3A_428, %dma_wait3A_429, %dma_wait3A_430, %dma_wait3A_431, %dma_wait3A_432] : memref<2x8x1x8x129xf32, #tpu.memory_space<vmem>> -> memref<2x8x1x8x128xf32, #tpu.memory_space<vmem>>
        tpu.wait_dma2 semaphore(%arg12 : memref<!tpu.dma_semaphore, #tpu.memory_space<semaphore_mem>>) src(%dma_wait3A_433 : memref<2x8x1x8x128xf32, #tpu.memory_space<vmem>>) dst(%dma_wait3A_427 : memref<2x8x1x8x128xf32, #tpu.memory_space<hbm>>)
      } else {
      }
      %broadcast_in_dim3A_314 = arith.constant 0 : i32
      %broadcast_in_dim3A_315 = vector.broadcast %broadcast_in_dim3A_314 : i32 to vector<16xi32>
      %scan3A_316 = arith.constant 0 : i32
      %scan3A_317 = arith.constant 0 : i32
      %scan3A_318 = arith.constant 128 : i32
      %scan3A_319 = arith.addi %scan3A_317, %scan3A_318 : i32
      %scan3A_320 = arith.constant 4 : i32
      scf.for %scan3A_410 = %scan3A_317 to %scan3A_319 step %scan3A_320  : i32 {
        %broadcast_in_dim3A_411 = vector.broadcast %scan3A_410 : i32 to vector<16xi32>
        %add3A_412 = arith.constant 0 : i32
        %add3A_413 = arith.addi %add3A_412, %scan3A_410 : i32
        %get3A = arith.index_cast %add3A_413 : i32 to index
        %get3A_414 = arith.constant 0 : index
        %get3A_415 = tpu.vector_load %arg6[%get3A, %get3A_414] {strides = array<i32>} : memref<256x64xf32, #tpu.memory_space<vmem>>, vector<16xf32>,
        %mul3A_416 = arith.constant 8.000000e+00 : f32
        %mul3A_417 = vector.broadcast %mul3A_416 : f32 to vector<16xf32>
        %mul3A_418 = arith.mulf %get3A_415, %mul3A_417 : vector<16xf32>
        tpu.vector_store_idx %arg8[%broadcast_in_dim3A_315, %add3A_26, %broadcast_in_dim3A_222, %select_n3A_152, %broadcast_in_dim3A_411], %mul3A_418 : memref<2x8x1x8x129xf32, #tpu.memory_space<vmem>>[vector<16xi32>, vector<16xi32>, vector<16xi32>, vector<16xi32>, vector<16xi32>], vector<16xf32>,
        %add3A_419 = arith.constant 0 : i32
        %add3A_420 = arith.addi %add3A_419, %scan3A_410 : i32
        %get3A_421 = arith.index_cast %add3A_420 : i32 to index
        %get3A_422 = arith.constant 16 : index
        %get3A_423 = tpu.vector_load %arg6[%get3A_421, %get3A_422] {strides = array<i32>} : memref<256x64xf32, #tpu.memory_space<vmem>>, vector<16xf32>,
        %mul3A_424 = arith.constant 8.000000e+00 : f32
        %mul3A_425 = vector.broadcast %mul3A_424 : f32 to vector<16xf32>
        %mul3A_426 = arith.mulf %get3A_423, %mul3A_425 : vector<16xf32>
        tpu.vector_store_idx %arg8[%broadcast_in_dim3A_315, %add3A_61, %broadcast_in_dim3A_222, %select_n3A_175, %broadcast_in_dim3A_411], %mul3A_426 : memref<2x8x1x8x129xf32, #tpu.memory_space<vmem>>[vector<16xi32>, vector<16xi32>, vector<16xi32>, vector<16xi32>, vector<16xi32>], vector<16xf32>,
        %add3A_427 = arith.constant 0 : i32
        %add3A_428 = arith.addi %add3A_427, %scan3A_410 : i32
        %get3A_429 = arith.index_cast %add3A_428 : i32 to index
        %get3A_430 = arith.constant 32 : index
        %get3A_431 = tpu.vector_load %arg6[%get3A_429, %get3A_430] {strides = array<i32>} : memref<256x64xf32, #tpu.memory_space<vmem>>, vector<16xf32>,
        %mul3A_432 = arith.constant 8.000000e+00 : f32
        %mul3A_433 = vector.broadcast %mul3A_432 : f32 to vector<16xf32>
        %mul3A_434 = arith.mulf %get3A_431, %mul3A_433 : vector<16xf32>
        tpu.vector_store_idx %arg8[%broadcast_in_dim3A_315, %add3A_96, %broadcast_in_dim3A_222, %select_n3A_198, %broadcast_in_dim3A_411], %mul3A_434 : memref<2x8x1x8x129xf32, #tpu.memory_space<vmem>>[vector<16xi32>, vector<16xi32>, vector<16xi32>, vector<16xi32>, vector<16xi32>], vector<16xf32>,
        %add3A_435 = arith.constant 0 : i32
        %add3A_436 = arith.addi %add3A_435, %scan3A_410 : i32
        %get3A_437 = arith.index_cast %add3A_436 : i32 to index
        %get3A_438 = arith.constant 48 : index
        %get3A_439 = tpu.vector_load %arg6[%get3A_437, %get3A_438] {strides = array<i32>} : memref<256x64xf32, #tpu.memory_space<vmem>>, vector<16xf32>,
        %mul3A_440 = arith.constant 8.000000e+00 : f32
        %mul3A_441 = vector.broadcast %mul3A_440 : f32 to vector<16xf32>
        %mul3A_442 = arith.mulf %get3A_439, %mul3A_441 : vector<16xf32>
        tpu.vector_store_idx %arg8[%broadcast_in_dim3A_315, %add3A_131, %broadcast_in_dim3A_222, %select_n3A_221, %broadcast_in_dim3A_411], %mul3A_442 : memref<2x8x1x8x129xf32, #tpu.memory_space<vmem>>[vector<16xi32>, vector<16xi32>, vector<16xi32>, vector<16xi32>, vector<16xi32>], vector<16xf32>,
        %scan3A_443 = arith.constant 1 : i32
        %scan3A_444 = arith.addi %scan3A_410, %scan3A_443 : i32
        %broadcast_in_dim3A_445 = vector.broadcast %scan3A_444 : i32 to vector<16xi32>
        %add3A_446 = arith.constant 0 : i32
        %add3A_447 = arith.addi %add3A_446, %scan3A_444 : i32
        %get3A_448 = arith.index_cast %add3A_447 : i32 to index
        %get3A_449 = arith.constant 0 : index
        %get3A_450 = tpu.vector_load %arg6[%get3A_448, %get3A_449] {strides = array<i32>} : memref<256x64xf32, #tpu.memory_space<vmem>>, vector<16xf32>,
        %mul3A_451 = arith.constant 8.000000e+00 : f32
        %mul3A_452 = vector.broadcast %mul3A_451 : f32 to vector<16xf32>
        %mul3A_453 = arith.mulf %get3A_450, %mul3A_452 : vector<16xf32>
        tpu.vector_store_idx %arg8[%broadcast_in_dim3A_315, %add3A_26, %broadcast_in_dim3A_222, %select_n3A_152, %broadcast_in_dim3A_445], %mul3A_453 : memref<2x8x1x8x129xf32, #tpu.memory_space<vmem>>[vector<16xi32>, vector<16xi32>, vector<16xi32>, vector<16xi32>, vector<16xi32>], vector<16xf32>,
        %add3A_454 = arith.constant 0 : i32
        %add3A_455 = arith.addi %add3A_454, %scan3A_444 : i32
        %get3A_456 = arith.index_cast %add3A_455 : i32 to index
        %get3A_457 = arith.constant 16 : index
        %get3A_458 = tpu.vector_load %arg6[%get3A_456, %get3A_457] {strides = array<i32>} : memref<256x64xf32, #tpu.memory_space<vmem>>, vector<16xf32>,
        %mul3A_459 = arith.constant 8.000000e+00 : f32
        %mul3A_460 = vector.broadcast %mul3A_459 : f32 to vector<16xf32>
        %mul3A_461 = arith.mulf %get3A_458, %mul3A_460 : vector<16xf32>
        tpu.vector_store_idx %arg8[%broadcast_in_dim3A_315, %add3A_61, %broadcast_in_dim3A_222, %select_n3A_175, %broadcast_in_dim3A_445], %mul3A_461 : memref<2x8x1x8x129xf32, #tpu.memory_space<vmem>>[vector<16xi32>, vector<16xi32>, vector<16xi32>, vector<16xi32>, vector<16xi32>], vector<16xf32>,
        %add3A_462 = arith.constant 0 : i32
        %add3A_463 = arith.addi %add3A_462, %scan3A_444 : i32
        %get3A_464 = arith.index_cast %add3A_463 : i32 to index
        %get3A_465 = arith.constant 32 : index
        %get3A_466 = tpu.vector_load %arg6[%get3A_464, %get3A_465] {strides = array<i32>} : memref<256x64xf32, #tpu.memory_space<vmem>>, vector<16xf32>,
        %mul3A_467 = arith.constant 8.000000e+00 : f32
        %mul3A_468 = vector.broadcast %mul3A_467 : f32 to vector<16xf32>
        %mul3A_469 = arith.mulf %get3A_466, %mul3A_468 : vector<16xf32>
        tpu.vector_store_idx %arg8[%broadcast_in_dim3A_315, %add3A_96, %broadcast_in_dim3A_222, %select_n3A_198, %broadcast_in_dim3A_445], %mul3A_469 : memref<2x8x1x8x129xf32, #tpu.memory_space<vmem>>[vector<16xi32>, vector<16xi32>, vector<16xi32>, vector<16xi32>, vector<16xi32>], vector<16xf32>,
        %add3A_470 = arith.constant 0 : i32
        %add3A_471 = arith.addi %add3A_470, %scan3A_444 : i32
        %get3A_472 = arith.index_cast %add3A_471 : i32 to index
        %get3A_473 = arith.constant 48 : index
        %get3A_474 = tpu.vector_load %arg6[%get3A_472, %get3A_473] {strides = array<i32>} : memref<256x64xf32, #tpu.memory_space<vmem>>, vector<16xf32>,
        %mul3A_475 = arith.constant 8.000000e+00 : f32
        %mul3A_476 = vector.broadcast %mul3A_475 : f32 to vector<16xf32>
        %mul3A_477 = arith.mulf %get3A_474, %mul3A_476 : vector<16xf32>
        tpu.vector_store_idx %arg8[%broadcast_in_dim3A_315, %add3A_131, %broadcast_in_dim3A_222, %select_n3A_221, %broadcast_in_dim3A_445], %mul3A_477 : memref<2x8x1x8x129xf32, #tpu.memory_space<vmem>>[vector<16xi32>, vector<16xi32>, vector<16xi32>, vector<16xi32>, vector<16xi32>], vector<16xf32>,
        %scan3A_478 = arith.constant 2 : i32
        %scan3A_479 = arith.addi %scan3A_410, %scan3A_478 : i32
        %broadcast_in_dim3A_480 = vector.broadcast %scan3A_479 : i32 to vector<16xi32>
        %add3A_481 = arith.constant 0 : i32
        %add3A_482 = arith.addi %add3A_481, %scan3A_479 : i32
        %get3A_483 = arith.index_cast %add3A_482 : i32 to index
        %get3A_484 = arith.constant 0 : index
        %get3A_485 = tpu.vector_load %arg6[%get3A_483, %get3A_484] {strides = array<i32>} : memref<256x64xf32, #tpu.memory_space<vmem>>, vector<16xf32>,
        %mul3A_486 = arith.constant 8.000000e+00 : f32
        %mul3A_487 = vector.broadcast %mul3A_486 : f32 to vector<16xf32>
        %mul3A_488 = arith.mulf %get3A_485, %mul3A_487 : vector<16xf32>
        tpu.vector_store_idx %arg8[%broadcast_in_dim3A_315, %add3A_26, %broadcast_in_dim3A_222, %select_n3A_152, %broadcast_in_dim3A_480], %mul3A_488 : memref<2x8x1x8x129xf32, #tpu.memory_space<vmem>>[vector<16xi32>, vector<16xi32>, vector<16xi32>, vector<16xi32>, vector<16xi32>], vector<16xf32>,
        %add3A_489 = arith.constant 0 : i32
        %add3A_490 = arith.addi %add3A_489, %scan3A_479 : i32
        %get3A_491 = arith.index_cast %add3A_490 : i32 to index
        %get3A_492 = arith.constant 16 : index
        %get3A_493 = tpu.vector_load %arg6[%get3A_491, %get3A_492] {strides = array<i32>} : memref<256x64xf32, #tpu.memory_space<vmem>>, vector<16xf32>,
        %mul3A_494 = arith.constant 8.000000e+00 : f32
        %mul3A_495 = vector.broadcast %mul3A_494 : f32 to vector<16xf32>
        %mul3A_496 = arith.mulf %get3A_493, %mul3A_495 : vector<16xf32>
        tpu.vector_store_idx %arg8[%broadcast_in_dim3A_315, %add3A_61, %broadcast_in_dim3A_222, %select_n3A_175, %broadcast_in_dim3A_480], %mul3A_496 : memref<2x8x1x8x129xf32, #tpu.memory_space<vmem>>[vector<16xi32>, vector<16xi32>, vector<16xi32>, vector<16xi32>, vector<16xi32>], vector<16xf32>,
        %add3A_497 = arith.constant 0 : i32
        %add3A_498 = arith.addi %add3A_497, %scan3A_479 : i32
        %get3A_499 = arith.index_cast %add3A_498 : i32 to index
        %get3A_500 = arith.constant 32 : index
        %get3A_501 = tpu.vector_load %arg6[%get3A_499, %get3A_500] {strides = array<i32>} : memref<256x64xf32, #tpu.memory_space<vmem>>, vector<16xf32>,
        %mul3A_502 = arith.constant 8.000000e+00 : f32
        %mul3A_503 = vector.broadcast %mul3A_502 : f32 to vector<16xf32>
        %mul3A_504 = arith.mulf %get3A_501, %mul3A_503 : vector<16xf32>
        tpu.vector_store_idx %arg8[%broadcast_in_dim3A_315, %add3A_96, %broadcast_in_dim3A_222, %select_n3A_198, %broadcast_in_dim3A_480], %mul3A_504 : memref<2x8x1x8x129xf32, #tpu.memory_space<vmem>>[vector<16xi32>, vector<16xi32>, vector<16xi32>, vector<16xi32>, vector<16xi32>], vector<16xf32>,
        %add3A_505 = arith.constant 0 : i32
        %add3A_506 = arith.addi %add3A_505, %scan3A_479 : i32
        %get3A_507 = arith.index_cast %add3A_506 : i32 to index
        %get3A_508 = arith.constant 48 : index
        %get3A_509 = tpu.vector_load %arg6[%get3A_507, %get3A_508] {strides = array<i32>} : memref<256x64xf32, #tpu.memory_space<vmem>>, vector<16xf32>,
        %mul3A_510 = arith.constant 8.000000e+00 : f32
        %mul3A_511 = vector.broadcast %mul3A_510 : f32 to vector<16xf32>
        %mul3A_512 = arith.mulf %get3A_509, %mul3A_511 : vector<16xf32>
        tpu.vector_store_idx %arg8[%broadcast_in_dim3A_315, %add3A_131, %broadcast_in_dim3A_222, %select_n3A_221, %broadcast_in_dim3A_480], %mul3A_512 : memref<2x8x1x8x129xf32, #tpu.memory_space<vmem>>[vector<16xi32>, vector<16xi32>, vector<16xi32>, vector<16xi32>, vector<16xi32>], vector<16xf32>,
        %scan3A_513 = arith.constant 3 : i32
        %scan3A_514 = arith.addi %scan3A_410, %scan3A_513 : i32
        %broadcast_in_dim3A_515 = vector.broadcast %scan3A_514 : i32 to vector<16xi32>
        %add3A_516 = arith.constant 0 : i32
        %add3A_517 = arith.addi %add3A_516, %scan3A_514 : i32
        %get3A_518 = arith.index_cast %add3A_517 : i32 to index
        %get3A_519 = arith.constant 0 : index
        %get3A_520 = tpu.vector_load %arg6[%get3A_518, %get3A_519] {strides = array<i32>} : memref<256x64xf32, #tpu.memory_space<vmem>>, vector<16xf32>,
        %mul3A_521 = arith.constant 8.000000e+00 : f32
        %mul3A_522 = vector.broadcast %mul3A_521 : f32 to vector<16xf32>
        %mul3A_523 = arith.mulf %get3A_520, %mul3A_522 : vector<16xf32>
        tpu.vector_store_idx %arg8[%broadcast_in_dim3A_315, %add3A_26, %broadcast_in_dim3A_222, %select_n3A_152, %broadcast_in_dim3A_515], %mul3A_523 : memref<2x8x1x8x129xf32, #tpu.memory_space<vmem>>[vector<16xi32>, vector<16xi32>, vector<16xi32>, vector<16xi32>, vector<16xi32>], vector<16xf32>,
        %add3A_524 = arith.constant 0 : i32
        %add3A_525 = arith.addi %add3A_524, %scan3A_514 : i32
        %get3A_526 = arith.index_cast %add3A_525 : i32 to index
        %get3A_527 = arith.constant 16 : index
        %get3A_528 = tpu.vector_load %arg6[%get3A_526, %get3A_527] {strides = array<i32>} : memref<256x64xf32, #tpu.memory_space<vmem>>, vector<16xf32>,
        %mul3A_529 = arith.constant 8.000000e+00 : f32
        %mul3A_530 = vector.broadcast %mul3A_529 : f32 to vector<16xf32>
        %mul3A_531 = arith.mulf %get3A_528, %mul3A_530 : vector<16xf32>
        tpu.vector_store_idx %arg8[%broadcast_in_dim3A_315, %add3A_61, %broadcast_in_dim3A_222, %select_n3A_175, %broadcast_in_dim3A_515], %mul3A_531 : memref<2x8x1x8x129xf32, #tpu.memory_space<vmem>>[vector<16xi32>, vector<16xi32>, vector<16xi32>, vector<16xi32>, vector<16xi32>], vector<16xf32>,
        %add3A_532 = arith.constant 0 : i32
        %add3A_533 = arith.addi %add3A_532, %scan3A_514 : i32
        %get3A_534 = arith.index_cast %add3A_533 : i32 to index
        %get3A_535 = arith.constant 32 : index
        %get3A_536 = tpu.vector_load %arg6[%get3A_534, %get3A_535] {strides = array<i32>} : memref<256x64xf32, #tpu.memory_space<vmem>>, vector<16xf32>,
        %mul3A_537 = arith.constant 8.000000e+00 : f32
        %mul3A_538 = vector.broadcast %mul3A_537 : f32 to vector<16xf32>
        %mul3A_539 = arith.mulf %get3A_536, %mul3A_538 : vector<16xf32>
        tpu.vector_store_idx %arg8[%broadcast_in_dim3A_315, %add3A_96, %broadcast_in_dim3A_222, %select_n3A_198, %broadcast_in_dim3A_515], %mul3A_539 : memref<2x8x1x8x129xf32, #tpu.memory_space<vmem>>[vector<16xi32>, vector<16xi32>, vector<16xi32>, vector<16xi32>, vector<16xi32>], vector<16xf32>,
        %add3A_540 = arith.constant 0 : i32
        %add3A_541 = arith.addi %add3A_540, %scan3A_514 : i32
        %get3A_542 = arith.index_cast %add3A_541 : i32 to index
        %get3A_543 = arith.constant 48 : index
        %get3A_544 = tpu.vector_load %arg6[%get3A_542, %get3A_543] {strides = array<i32>} : memref<256x64xf32, #tpu.memory_space<vmem>>, vector<16xf32>,
        %mul3A_545 = arith.constant 8.000000e+00 : f32
        %mul3A_546 = vector.broadcast %mul3A_545 : f32 to vector<16xf32>
        %mul3A_547 = arith.mulf %get3A_544, %mul3A_546 : vector<16xf32>
        tpu.vector_store_idx %arg8[%broadcast_in_dim3A_315, %add3A_131, %broadcast_in_dim3A_222, %select_n3A_221, %broadcast_in_dim3A_515], %mul3A_547 : memref<2x8x1x8x129xf32, #tpu.memory_space<vmem>>[vector<16xi32>, vector<16xi32>, vector<16xi32>, vector<16xi32>, vector<16xi32>], vector<16xf32>,
      }
      %scan3A_321 = arith.constant 128 : i32
      %broadcast_in_dim3A_322 = arith.constant 1 : i32
      %broadcast_in_dim3A_323 = vector.broadcast %broadcast_in_dim3A_322 : i32 to vector<16xi32>
      %scan3A_324 = arith.constant 0 : i32
      %scan3A_325 = arith.constant 0 : i32
      %scan3A_326 = arith.constant 128 : i32
      %scan3A_327 = arith.addi %scan3A_325, %scan3A_326 : i32
      %scan3A_328 = arith.constant 4 : i32
      scf.for %scan3A_410 = %scan3A_325 to %scan3A_327 step %scan3A_328  : i32 {
        %broadcast_in_dim3A_411 = vector.broadcast %scan3A_410 : i32 to vector<16xi32>
        %add3A_412 = arith.constant 128 : i32
        %add3A_413 = arith.addi %add3A_412, %scan3A_410 : i32
        %get3A = arith.index_cast %add3A_413 : i32 to index
        %get3A_414 = arith.constant 0 : index
        %get3A_415 = tpu.vector_load %arg6[%get3A, %get3A_414] {strides = array<i32>} : memref<256x64xf32, #tpu.memory_space<vmem>>, vector<16xf32>,
        %mul3A_416 = arith.constant 8.000000e+00 : f32
        %mul3A_417 = vector.broadcast %mul3A_416 : f32 to vector<16xf32>
        %mul3A_418 = arith.mulf %get3A_415, %mul3A_417 : vector<16xf32>
        tpu.vector_store_idx %arg8[%broadcast_in_dim3A_323, %add3A_26, %broadcast_in_dim3A_222, %select_n3A_152, %broadcast_in_dim3A_411], %mul3A_418 : memref<2x8x1x8x129xf32, #tpu.memory_space<vmem>>[vector<16xi32>, vector<16xi32>, vector<16xi32>, vector<16xi32>, vector<16xi32>], vector<16xf32>,
        %add3A_419 = arith.constant 128 : i32
        %add3A_420 = arith.addi %add3A_419, %scan3A_410 : i32
        %get3A_421 = arith.index_cast %add3A_420 : i32 to index
        %get3A_422 = arith.constant 16 : index
        %get3A_423 = tpu.vector_load %arg6[%get3A_421, %get3A_422] {strides = array<i32>} : memref<256x64xf32, #tpu.memory_space<vmem>>, vector<16xf32>,
        %mul3A_424 = arith.constant 8.000000e+00 : f32
        %mul3A_425 = vector.broadcast %mul3A_424 : f32 to vector<16xf32>
        %mul3A_426 = arith.mulf %get3A_423, %mul3A_425 : vector<16xf32>
        tpu.vector_store_idx %arg8[%broadcast_in_dim3A_323, %add3A_61, %broadcast_in_dim3A_222, %select_n3A_175, %broadcast_in_dim3A_411], %mul3A_426 : memref<2x8x1x8x129xf32, #tpu.memory_space<vmem>>[vector<16xi32>, vector<16xi32>, vector<16xi32>, vector<16xi32>, vector<16xi32>], vector<16xf32>,
        %add3A_427 = arith.constant 128 : i32
        %add3A_428 = arith.addi %add3A_427, %scan3A_410 : i32
        %get3A_429 = arith.index_cast %add3A_428 : i32 to index
        %get3A_430 = arith.constant 32 : index
        %get3A_431 = tpu.vector_load %arg6[%get3A_429, %get3A_430] {strides = array<i32>} : memref<256x64xf32, #tpu.memory_space<vmem>>, vector<16xf32>,
        %mul3A_432 = arith.constant 8.000000e+00 : f32
        %mul3A_433 = vector.broadcast %mul3A_432 : f32 to vector<16xf32>
        %mul3A_434 = arith.mulf %get3A_431, %mul3A_433 : vector<16xf32>
        tpu.vector_store_idx %arg8[%broadcast_in_dim3A_323, %add3A_96, %broadcast_in_dim3A_222, %select_n3A_198, %broadcast_in_dim3A_411], %mul3A_434 : memref<2x8x1x8x129xf32, #tpu.memory_space<vmem>>[vector<16xi32>, vector<16xi32>, vector<16xi32>, vector<16xi32>, vector<16xi32>], vector<16xf32>,
        %add3A_435 = arith.constant 128 : i32
        %add3A_436 = arith.addi %add3A_435, %scan3A_410 : i32
        %get3A_437 = arith.index_cast %add3A_436 : i32 to index
        %get3A_438 = arith.constant 48 : index
        %get3A_439 = tpu.vector_load %arg6[%get3A_437, %get3A_438] {strides = array<i32>} : memref<256x64xf32, #tpu.memory_space<vmem>>, vector<16xf32>,
        %mul3A_440 = arith.constant 8.000000e+00 : f32
        %mul3A_441 = vector.broadcast %mul3A_440 : f32 to vector<16xf32>
        %mul3A_442 = arith.mulf %get3A_439, %mul3A_441 : vector<16xf32>
        tpu.vector_store_idx %arg8[%broadcast_in_dim3A_323, %add3A_131, %broadcast_in_dim3A_222, %select_n3A_221, %broadcast_in_dim3A_411], %mul3A_442 : memref<2x8x1x8x129xf32, #tpu.memory_space<vmem>>[vector<16xi32>, vector<16xi32>, vector<16xi32>, vector<16xi32>, vector<16xi32>], vector<16xf32>,
        %scan3A_443 = arith.constant 1 : i32
        %scan3A_444 = arith.addi %scan3A_410, %scan3A_443 : i32
        %broadcast_in_dim3A_445 = vector.broadcast %scan3A_444 : i32 to vector<16xi32>
        %add3A_446 = arith.constant 128 : i32
        %add3A_447 = arith.addi %add3A_446, %scan3A_444 : i32
        %get3A_448 = arith.index_cast %add3A_447 : i32 to index
        %get3A_449 = arith.constant 0 : index
        %get3A_450 = tpu.vector_load %arg6[%get3A_448, %get3A_449] {strides = array<i32>} : memref<256x64xf32, #tpu.memory_space<vmem>>, vector<16xf32>,
        %mul3A_451 = arith.constant 8.000000e+00 : f32
        %mul3A_452 = vector.broadcast %mul3A_451 : f32 to vector<16xf32>
        %mul3A_453 = arith.mulf %get3A_450, %mul3A_452 : vector<16xf32>
        tpu.vector_store_idx %arg8[%broadcast_in_dim3A_323, %add3A_26, %broadcast_in_dim3A_222, %select_n3A_152, %broadcast_in_dim3A_445], %mul3A_453 : memref<2x8x1x8x129xf32, #tpu.memory_space<vmem>>[vector<16xi32>, vector<16xi32>, vector<16xi32>, vector<16xi32>, vector<16xi32>], vector<16xf32>,
        %add3A_454 = arith.constant 128 : i32
        %add3A_455 = arith.addi %add3A_454, %scan3A_444 : i32
        %get3A_456 = arith.index_cast %add3A_455 : i32 to index
        %get3A_457 = arith.constant 16 : index
        %get3A_458 = tpu.vector_load %arg6[%get3A_456, %get3A_457] {strides = array<i32>} : memref<256x64xf32, #tpu.memory_space<vmem>>, vector<16xf32>,
        %mul3A_459 = arith.constant 8.000000e+00 : f32
        %mul3A_460 = vector.broadcast %mul3A_459 : f32 to vector<16xf32>
        %mul3A_461 = arith.mulf %get3A_458, %mul3A_460 : vector<16xf32>
        tpu.vector_store_idx %arg8[%broadcast_in_dim3A_323, %add3A_61, %broadcast_in_dim3A_222, %select_n3A_175, %broadcast_in_dim3A_445], %mul3A_461 : memref<2x8x1x8x129xf32, #tpu.memory_space<vmem>>[vector<16xi32>, vector<16xi32>, vector<16xi32>, vector<16xi32>, vector<16xi32>], vector<16xf32>,
        %add3A_462 = arith.constant 128 : i32
        %add3A_463 = arith.addi %add3A_462, %scan3A_444 : i32
        %get3A_464 = arith.index_cast %add3A_463 : i32 to index
        %get3A_465 = arith.constant 32 : index
        %get3A_466 = tpu.vector_load %arg6[%get3A_464, %get3A_465] {strides = array<i32>} : memref<256x64xf32, #tpu.memory_space<vmem>>, vector<16xf32>,
        %mul3A_467 = arith.constant 8.000000e+00 : f32
        %mul3A_468 = vector.broadcast %mul3A_467 : f32 to vector<16xf32>
        %mul3A_469 = arith.mulf %get3A_466, %mul3A_468 : vector<16xf32>
        tpu.vector_store_idx %arg8[%broadcast_in_dim3A_323, %add3A_96, %broadcast_in_dim3A_222, %select_n3A_198, %broadcast_in_dim3A_445], %mul3A_469 : memref<2x8x1x8x129xf32, #tpu.memory_space<vmem>>[vector<16xi32>, vector<16xi32>, vector<16xi32>, vector<16xi32>, vector<16xi32>], vector<16xf32>,
        %add3A_470 = arith.constant 128 : i32
        %add3A_471 = arith.addi %add3A_470, %scan3A_444 : i32
        %get3A_472 = arith.index_cast %add3A_471 : i32 to index
        %get3A_473 = arith.constant 48 : index
        %get3A_474 = tpu.vector_load %arg6[%get3A_472, %get3A_473] {strides = array<i32>} : memref<256x64xf32, #tpu.memory_space<vmem>>, vector<16xf32>,
        %mul3A_475 = arith.constant 8.000000e+00 : f32
        %mul3A_476 = vector.broadcast %mul3A_475 : f32 to vector<16xf32>
        %mul3A_477 = arith.mulf %get3A_474, %mul3A_476 : vector<16xf32>
        tpu.vector_store_idx %arg8[%broadcast_in_dim3A_323, %add3A_131, %broadcast_in_dim3A_222, %select_n3A_221, %broadcast_in_dim3A_445], %mul3A_477 : memref<2x8x1x8x129xf32, #tpu.memory_space<vmem>>[vector<16xi32>, vector<16xi32>, vector<16xi32>, vector<16xi32>, vector<16xi32>], vector<16xf32>,
        %scan3A_478 = arith.constant 2 : i32
        %scan3A_479 = arith.addi %scan3A_410, %scan3A_478 : i32
        %broadcast_in_dim3A_480 = vector.broadcast %scan3A_479 : i32 to vector<16xi32>
        %add3A_481 = arith.constant 128 : i32
        %add3A_482 = arith.addi %add3A_481, %scan3A_479 : i32
        %get3A_483 = arith.index_cast %add3A_482 : i32 to index
        %get3A_484 = arith.constant 0 : index
        %get3A_485 = tpu.vector_load %arg6[%get3A_483, %get3A_484] {strides = array<i32>} : memref<256x64xf32, #tpu.memory_space<vmem>>, vector<16xf32>,
        %mul3A_486 = arith.constant 8.000000e+00 : f32
        %mul3A_487 = vector.broadcast %mul3A_486 : f32 to vector<16xf32>
        %mul3A_488 = arith.mulf %get3A_485, %mul3A_487 : vector<16xf32>
        tpu.vector_store_idx %arg8[%broadcast_in_dim3A_323, %add3A_26, %broadcast_in_dim3A_222, %select_n3A_152, %broadcast_in_dim3A_480], %mul3A_488 : memref<2x8x1x8x129xf32, #tpu.memory_space<vmem>>[vector<16xi32>, vector<16xi32>, vector<16xi32>, vector<16xi32>, vector<16xi32>], vector<16xf32>,
        %add3A_489 = arith.constant 128 : i32
        %add3A_490 = arith.addi %add3A_489, %scan3A_479 : i32
        %get3A_491 = arith.index_cast %add3A_490 : i32 to index
        %get3A_492 = arith.constant 16 : index
        %get3A_493 = tpu.vector_load %arg6[%get3A_491, %get3A_492] {strides = array<i32>} : memref<256x64xf32, #tpu.memory_space<vmem>>, vector<16xf32>,
        %mul3A_494 = arith.constant 8.000000e+00 : f32
        %mul3A_495 = vector.broadcast %mul3A_494 : f32 to vector<16xf32>
        %mul3A_496 = arith.mulf %get3A_493, %mul3A_495 : vector<16xf32>
        tpu.vector_store_idx %arg8[%broadcast_in_dim3A_323, %add3A_61, %broadcast_in_dim3A_222, %select_n3A_175, %broadcast_in_dim3A_480], %mul3A_496 : memref<2x8x1x8x129xf32, #tpu.memory_space<vmem>>[vector<16xi32>, vector<16xi32>, vector<16xi32>, vector<16xi32>, vector<16xi32>], vector<16xf32>,
        %add3A_497 = arith.constant 128 : i32
        %add3A_498 = arith.addi %add3A_497, %scan3A_479 : i32
        %get3A_499 = arith.index_cast %add3A_498 : i32 to index
        %get3A_500 = arith.constant 32 : index
        %get3A_501 = tpu.vector_load %arg6[%get3A_499, %get3A_500] {strides = array<i32>} : memref<256x64xf32, #tpu.memory_space<vmem>>, vector<16xf32>,
        %mul3A_502 = arith.constant 8.000000e+00 : f32
        %mul3A_503 = vector.broadcast %mul3A_502 : f32 to vector<16xf32>
        %mul3A_504 = arith.mulf %get3A_501, %mul3A_503 : vector<16xf32>
        tpu.vector_store_idx %arg8[%broadcast_in_dim3A_323, %add3A_96, %broadcast_in_dim3A_222, %select_n3A_198, %broadcast_in_dim3A_480], %mul3A_504 : memref<2x8x1x8x129xf32, #tpu.memory_space<vmem>>[vector<16xi32>, vector<16xi32>, vector<16xi32>, vector<16xi32>, vector<16xi32>], vector<16xf32>,
        %add3A_505 = arith.constant 128 : i32
        %add3A_506 = arith.addi %add3A_505, %scan3A_479 : i32
        %get3A_507 = arith.index_cast %add3A_506 : i32 to index
        %get3A_508 = arith.constant 48 : index
        %get3A_509 = tpu.vector_load %arg6[%get3A_507, %get3A_508] {strides = array<i32>} : memref<256x64xf32, #tpu.memory_space<vmem>>, vector<16xf32>,
        %mul3A_510 = arith.constant 8.000000e+00 : f32
        %mul3A_511 = vector.broadcast %mul3A_510 : f32 to vector<16xf32>
        %mul3A_512 = arith.mulf %get3A_509, %mul3A_511 : vector<16xf32>
        tpu.vector_store_idx %arg8[%broadcast_in_dim3A_323, %add3A_131, %broadcast_in_dim3A_222, %select_n3A_221, %broadcast_in_dim3A_480], %mul3A_512 : memref<2x8x1x8x129xf32, #tpu.memory_space<vmem>>[vector<16xi32>, vector<16xi32>, vector<16xi32>, vector<16xi32>, vector<16xi32>], vector<16xf32>,
        %scan3A_513 = arith.constant 3 : i32
        %scan3A_514 = arith.addi %scan3A_410, %scan3A_513 : i32
        %broadcast_in_dim3A_515 = vector.broadcast %scan3A_514 : i32 to vector<16xi32>
        %add3A_516 = arith.constant 128 : i32
        %add3A_517 = arith.addi %add3A_516, %scan3A_514 : i32
        %get3A_518 = arith.index_cast %add3A_517 : i32 to index
        %get3A_519 = arith.constant 0 : index
        %get3A_520 = tpu.vector_load %arg6[%get3A_518, %get3A_519] {strides = array<i32>} : memref<256x64xf32, #tpu.memory_space<vmem>>, vector<16xf32>,
        %mul3A_521 = arith.constant 8.000000e+00 : f32
        %mul3A_522 = vector.broadcast %mul3A_521 : f32 to vector<16xf32>
        %mul3A_523 = arith.mulf %get3A_520, %mul3A_522 : vector<16xf32>
        tpu.vector_store_idx %arg8[%broadcast_in_dim3A_323, %add3A_26, %broadcast_in_dim3A_222, %select_n3A_152, %broadcast_in_dim3A_515], %mul3A_523 : memref<2x8x1x8x129xf32, #tpu.memory_space<vmem>>[vector<16xi32>, vector<16xi32>, vector<16xi32>, vector<16xi32>, vector<16xi32>], vector<16xf32>,
        %add3A_524 = arith.constant 128 : i32
        %add3A_525 = arith.addi %add3A_524, %scan3A_514 : i32
        %get3A_526 = arith.index_cast %add3A_525 : i32 to index
        %get3A_527 = arith.constant 16 : index
        %get3A_528 = tpu.vector_load %arg6[%get3A_526, %get3A_527] {strides = array<i32>} : memref<256x64xf32, #tpu.memory_space<vmem>>, vector<16xf32>,
        %mul3A_529 = arith.constant 8.000000e+00 : f32
        %mul3A_530 = vector.broadcast %mul3A_529 : f32 to vector<16xf32>
        %mul3A_531 = arith.mulf %get3A_528, %mul3A_530 : vector<16xf32>
        tpu.vector_store_idx %arg8[%broadcast_in_dim3A_323, %add3A_61, %broadcast_in_dim3A_222, %select_n3A_175, %broadcast_in_dim3A_515], %mul3A_531 : memref<2x8x1x8x129xf32, #tpu.memory_space<vmem>>[vector<16xi32>, vector<16xi32>, vector<16xi32>, vector<16xi32>, vector<16xi32>], vector<16xf32>,
        %add3A_532 = arith.constant 128 : i32
        %add3A_533 = arith.addi %add3A_532, %scan3A_514 : i32
        %get3A_534 = arith.index_cast %add3A_533 : i32 to index
        %get3A_535 = arith.constant 32 : index
        %get3A_536 = tpu.vector_load %arg6[%get3A_534, %get3A_535] {strides = array<i32>} : memref<256x64xf32, #tpu.memory_space<vmem>>, vector<16xf32>,
        %mul3A_537 = arith.constant 8.000000e+00 : f32
        %mul3A_538 = vector.broadcast %mul3A_537 : f32 to vector<16xf32>
        %mul3A_539 = arith.mulf %get3A_536, %mul3A_538 : vector<16xf32>
        tpu.vector_store_idx %arg8[%broadcast_in_dim3A_323, %add3A_96, %broadcast_in_dim3A_222, %select_n3A_198, %broadcast_in_dim3A_515], %mul3A_539 : memref<2x8x1x8x129xf32, #tpu.memory_space<vmem>>[vector<16xi32>, vector<16xi32>, vector<16xi32>, vector<16xi32>, vector<16xi32>], vector<16xf32>,
        %add3A_540 = arith.constant 128 : i32
        %add3A_541 = arith.addi %add3A_540, %scan3A_514 : i32
        %get3A_542 = arith.index_cast %add3A_541 : i32 to index
        %get3A_543 = arith.constant 48 : index
        %get3A_544 = tpu.vector_load %arg6[%get3A_542, %get3A_543] {strides = array<i32>} : memref<256x64xf32, #tpu.memory_space<vmem>>, vector<16xf32>,
        %mul3A_545 = arith.constant 8.000000e+00 : f32
        %mul3A_546 = vector.broadcast %mul3A_545 : f32 to vector<16xf32>
        %mul3A_547 = arith.mulf %get3A_544, %mul3A_546 : vector<16xf32>
        tpu.vector_store_idx %arg8[%broadcast_in_dim3A_323, %add3A_131, %broadcast_in_dim3A_222, %select_n3A_221, %broadcast_in_dim3A_515], %mul3A_547 : memref<2x8x1x8x129xf32, #tpu.memory_space<vmem>>[vector<16xi32>, vector<16xi32>, vector<16xi32>, vector<16xi32>, vector<16xi32>], vector<16xf32>,
      }
      %scan3A_329 = arith.constant 128 : i32
      %mul3A_330 = arith.constant 2 : i32
      %mul3A_331 = arith.muli %add3A_298, %mul3A_330 : i32
      %dma_start3A_332 = arith.constant 0 : i32
      %dma_start3A_333 = arith.constant 0 : i32
      %dma_start3A_334 = arith.constant 0 : i32
      %dma_start3A_335 = arith.constant 0 : i32
      %dma_start3A_336 = arith.constant 0 : i32
      %dma_start3A_337 = tpu.memref_slice %arg8[%dma_start3A_332, %dma_start3A_333, %dma_start3A_334, %dma_start3A_335, %dma_start3A_336] : memref<2x8x1x8x129xf32, #tpu.memory_space<vmem>> -> memref<2x8x1x8x128xf32, #tpu.memory_space<vmem>>
      %dma_start3A_338 = arith.constant 0 : i32
      %dma_start3A_339 = arith.constant 0 : i32
      %dma_start3A_340 = arith.constant 0 : i32
      %dma_start3A_341 = tpu.memref_slice %arg4[%mul3A_331, %dma_start3A_338, %add3A, %dma_start3A_339, %dma_start3A_340] : memref<200x8x32x8x128xf32, #tpu.memory_space<hbm>> -> memref<2x8x1x8x128xf32, #tpu.memory_space<hbm>>
      %dma_start3A_342 = arith.constant 0 : i32
      %dma_start3A_343 = arith.constant 0 : i32
      %dma_start3A_344 = arith.constant 0 : i32
      %dma_start3A_345 = tpu.memref_slice %arg4[%mul3A_331, %dma_start3A_342, %add3A, %dma_start3A_343, %dma_start3A_344] : memref<200x8x32x8x128xf32, #tpu.memory_space<hbm>> -> memref<2x8x1x8x128xf32, #tpu.memory_space<hbm>>
      %dma_start3A_346 = arith.constant 0 : i32
      %dma_start3A_347 = arith.constant 0 : i32
      %dma_start3A_348 = arith.constant 0 : i32
      %dma_start3A_349 = arith.constant 0 : i32
      %dma_start3A_350 = arith.constant 0 : i32
      %dma_start3A_351 = tpu.memref_slice %arg8[%dma_start3A_346, %dma_start3A_347, %dma_start3A_348, %dma_start3A_349, %dma_start3A_350] : memref<2x8x1x8x129xf32, #tpu.memory_space<vmem>> -> memref<2x8x1x8x128xf32, #tpu.memory_space<vmem>>
      tpu.enqueue_dma source(%dma_start3A_351 : memref<2x8x1x8x128xf32, #tpu.memory_space<vmem>>) target(%dma_start3A_345 : memref<2x8x1x8x128xf32, #tpu.memory_space<hbm>>) target_semaphore(%arg12 : memref<!tpu.dma_semaphore, #tpu.memory_space<semaphore_mem>>)
      %add3A_352 = arith.constant 1 : i32
      %add3A_353 = arith.addi %mul3A_296, %add3A_352 : i32
      %dma_wait3A_354 = arith.constant 0 : i32
      %dma_wait3A_355 = arith.constant 0 : i32
      %dma_wait3A_356 = tpu.memref_slice %arg3[%dma_wait3A_354, %dma_wait3A_355] : memref<1000000x64xf32, #tpu.memory_space<hbm>> -> memref<256x64xf32, #tpu.memory_space<hbm>>
      %dma_wait3A_357 = arith.constant 0 : i32
      %dma_wait3A_358 = arith.constant 0 : i32
      %dma_wait3A_359 = tpu.memref_slice %arg3[%dma_wait3A_357, %dma_wait3A_358] : memref<1000000x64xf32, #tpu.memory_space<hbm>> -> memref<256x64xf32, #tpu.memory_space<hbm>>
      tpu.wait_dma2 semaphore(%arg11 : memref<!tpu.dma_semaphore, #tpu.memory_space<semaphore_mem>>) src(%dma_wait3A_359 : memref<256x64xf32, #tpu.memory_space<hbm>>) dst(%arg7 : memref<256x64xf32, #tpu.memory_space<vmem>>)
      %add3A_360 = arith.constant 1 : i32
      %add3A_361 = arith.addi %add3A_353, %add3A_360 : i32
      %lt3A_362 = arith.constant 100 : i32
      %lt3A_363 = arith.cmpi slt, %add3A_361, %lt3A_362 : i32
      %convert_element_type3A_364 = arith.extui %lt3A_363 : i1 to i32
      %cond3A_365 = arith.constant 0 : i32
      %cond3A_366 = arith.cmpi ne, %convert_element_type3A_364, %cond3A_365 : i32
      scf.if %cond3A_366 {
        %add3A_410 = arith.constant 1 : i32
        %add3A_411 = arith.addi %add3A_353, %add3A_410 : i32
        %mul3A_412 = arith.constant 2 : i32
        %mul3A_413 = arith.muli %add3A_411, %mul3A_412 : i32
        %add3A_414 = arith.constant 0 : i32
        %add3A_415 = arith.addi %mul3A_413, %add3A_414 : i32
        %jit3A_416 = arith.constant 8 : i32
        %div3A_417 = arith.divsi %add3A_415, %jit3A_416 : i32
        %sign3A_418 = arith.constant 0 : i32
        %sign3A_419 = arith.cmpi sgt, %add3A_415, %sign3A_418 : i32
        %sign3A_420 = arith.extui %sign3A_419 : i1 to i32
        %sign3A_421 = arith.constant 0 : i32
        %sign3A_422 = arith.cmpi slt, %add3A_415, %sign3A_421 : i32
        %sign3A_423 = arith.extui %sign3A_422 : i1 to i32
        %sign3A_424 = arith.subi %sign3A_420, %sign3A_423 : i32
        %sign3A_425 = arith.constant 0 : i32
        %sign3A_426 = arith.cmpi sgt, %jit3A_416, %sign3A_425 : i32
        %sign3A_427 = arith.extui %sign3A_426 : i1 to i32
        %sign3A_428 = arith.constant 0 : i32
        %sign3A_429 = arith.cmpi slt, %jit3A_416, %sign3A_428 : i32
        %sign3A_430 = arith.extui %sign3A_429 : i1 to i32
        %sign3A_431 = arith.subi %sign3A_427, %sign3A_430 : i32
        %ne3A_432 = arith.cmpi ne, %sign3A_424, %sign3A_431 : i32
        %rem3A_433 = arith.remsi %add3A_415, %jit3A_416 : i32
        %ne3A_434 = arith.constant 0 : i32
        %ne3A_435 = arith.cmpi ne, %rem3A_433, %ne3A_434 : i32
        %and3A_436 = arith.andi %ne3A_432, %ne3A_435 : i1
        %sub3A_437 = arith.constant 1 : i32
        %sub3A_438 = arith.subi %div3A_417, %sub3A_437 : i32
        %select_n3A_439 = arith.select %and3A_436, %sub3A_438, %div3A_417 : i32
        %jit3A_440 = arith.constant 8 : i32
        %eq3A_441 = arith.constant 0 : i32
        %eq3A_442 = arith.cmpi eq, %jit3A_440, %eq3A_441 : i32
        %jit3A_443 = arith.constant 1 : i32
        %select_n3A_444 = arith.select %eq3A_442, %jit3A_443, %jit3A_440 : i32
        %rem3A_445 = arith.remsi %add3A_415, %select_n3A_444 : i32
        %ne3A_446 = arith.constant 0 : i32
        %ne3A_447 = arith.cmpi ne, %rem3A_445, %ne3A_446 : i32
        %lt3A_448 = arith.constant 0 : i32
        %lt3A_449 = arith.cmpi slt, %rem3A_445, %lt3A_448 : i32
        %lt3A_450 = arith.constant 0 : i32
        %lt3A_451 = arith.cmpi slt, %select_n3A_444, %lt3A_450 : i32
        %ne3A_452 = arith.xori %lt3A_449, %lt3A_451 : i1
        %and3A_453 = arith.andi %ne3A_452, %ne3A_447 : i1
        %add3A_454 = arith.addi %rem3A_445, %select_n3A_444 : i32
        %select_n3A_455 = arith.select %and3A_453, %add3A_454, %rem3A_445 : i32
        %dma_start3A_456 = arith.constant 0 : i32
        %dma_start3A_457 = arith.constant 0 : i32
        %dma_start3A_458 = arith.constant 0 : i32
        %dma_start3A_459 = tpu.memref_slice %arg6[%dma_start3A_457, %dma_start3A_458] : memref<256x64xf32, #tpu.memory_space<vmem>> -> memref<128x64xf32, #tpu.memory_space<vmem>>
        %dma_start3A_460 = arith.constant 0 : i32
        %dma_start3A_461 = tpu.memref_slice %arg5[%select_n3A_439, %dma_start3A_456, %select_n3A_455, %dma_start3A_460] : memref<25x1x8x128xi32, #tpu.memory_space<vmem>> -> memref<1x1x1x128xi32, #tpu.memory_space<vmem>>
        %dma_start3A_462 = tpu.memref_squeeze %dma_start3A_461 : memref<1x1x1x128xi32, #tpu.memory_space<vmem>> -> memref<128xi32, #tpu.memory_space<vmem>>
        %dma_start3A_463 = arith.constant 0 : i32
        %dma_start3A_464 = arith.constant 0 : i32
        %dma_start3A_465 = tpu.memref_slice %arg3[%dma_start3A_463, %dma_start3A_464] : memref<1000000x64xf32, #tpu.memory_space<hbm>> -> memref<1000000x64xf32, #tpu.memory_space<hbm>>
        tpu.enqueue_indirect_dma source(%dma_start3A_465 : memref<1000000x64xf32, #tpu.memory_space<hbm>>) target(%dma_start3A_459 : memref<128x64xf32, #tpu.memory_space<vmem>>) offsets(%dma_start3A_462 : memref<128xi32, #tpu.memory_space<vmem>>) semaphore(%arg10 : memref<!tpu.dma_semaphore, #tpu.memory_space<semaphore_mem>>)
        %mul3A_466 = arith.constant 2 : i32
        %mul3A_467 = arith.muli %add3A_411, %mul3A_466 : i32
        %add3A_468 = arith.constant 1 : i32
        %add3A_469 = arith.addi %mul3A_467, %add3A_468 : i32
        %jit3A_470 = arith.constant 8 : i32
        %div3A_471 = arith.divsi %add3A_469, %jit3A_470 : i32
        %sign3A_472 = arith.constant 0 : i32
        %sign3A_473 = arith.cmpi sgt, %add3A_469, %sign3A_472 : i32
        %sign3A_474 = arith.extui %sign3A_473 : i1 to i32
        %sign3A_475 = arith.constant 0 : i32
        %sign3A_476 = arith.cmpi slt, %add3A_469, %sign3A_475 : i32
        %sign3A_477 = arith.extui %sign3A_476 : i1 to i32
        %sign3A_478 = arith.subi %sign3A_474, %sign3A_477 : i32
        %sign3A_479 = arith.constant 0 : i32
        %sign3A_480 = arith.cmpi sgt, %jit3A_470, %sign3A_479 : i32
        %sign3A_481 = arith.extui %sign3A_480 : i1 to i32
        %sign3A_482 = arith.constant 0 : i32
        %sign3A_483 = arith.cmpi slt, %jit3A_470, %sign3A_482 : i32
        %sign3A_484 = arith.extui %sign3A_483 : i1 to i32
        %sign3A_485 = arith.subi %sign3A_481, %sign3A_484 : i32
        %ne3A_486 = arith.cmpi ne, %sign3A_478, %sign3A_485 : i32
        %rem3A_487 = arith.remsi %add3A_469, %jit3A_470 : i32
        %ne3A_488 = arith.constant 0 : i32
        %ne3A_489 = arith.cmpi ne, %rem3A_487, %ne3A_488 : i32
        %and3A_490 = arith.andi %ne3A_486, %ne3A_489 : i1
        %sub3A_491 = arith.constant 1 : i32
        %sub3A_492 = arith.subi %div3A_471, %sub3A_491 : i32
        %select_n3A_493 = arith.select %and3A_490, %sub3A_492, %div3A_471 : i32
        %jit3A_494 = arith.constant 8 : i32
        %eq3A_495 = arith.constant 0 : i32
        %eq3A_496 = arith.cmpi eq, %jit3A_494, %eq3A_495 : i32
        %jit3A_497 = arith.constant 1 : i32
        %select_n3A_498 = arith.select %eq3A_496, %jit3A_497, %jit3A_494 : i32
        %rem3A_499 = arith.remsi %add3A_469, %select_n3A_498 : i32
        %ne3A_500 = arith.constant 0 : i32
        %ne3A_501 = arith.cmpi ne, %rem3A_499, %ne3A_500 : i32
        %lt3A_502 = arith.constant 0 : i32
        %lt3A_503 = arith.cmpi slt, %rem3A_499, %lt3A_502 : i32
        %lt3A_504 = arith.constant 0 : i32
        %lt3A_505 = arith.cmpi slt, %select_n3A_498, %lt3A_504 : i32
        %ne3A_506 = arith.xori %lt3A_503, %lt3A_505 : i1
        %and3A_507 = arith.andi %ne3A_506, %ne3A_501 : i1
        %add3A_508 = arith.addi %rem3A_499, %select_n3A_498 : i32
        %select_n3A_509 = arith.select %and3A_507, %add3A_508, %rem3A_499 : i32
        %dma_start3A_510 = arith.constant 0 : i32
        %dma_start3A_511 = arith.constant 128 : i32
        %dma_start3A_512 = arith.constant 0 : i32
        %dma_start3A_513 = tpu.memref_slice %arg6[%dma_start3A_511, %dma_start3A_512] : memref<256x64xf32, #tpu.memory_space<vmem>> -> memref<128x64xf32, #tpu.memory_space<vmem>>
        %dma_start3A_514 = arith.constant 0 : i32
        %dma_start3A_515 = tpu.memref_slice %arg5[%select_n3A_493, %dma_start3A_510, %select_n3A_509, %dma_start3A_514] : memref<25x1x8x128xi32, #tpu.memory_space<vmem>> -> memref<1x1x1x128xi32, #tpu.memory_space<vmem>>
        %dma_start3A_516 = tpu.memref_squeeze %dma_start3A_515 : memref<1x1x1x128xi32, #tpu.memory_space<vmem>> -> memref<128xi32, #tpu.memory_space<vmem>>
        %dma_start3A_517 = arith.constant 0 : i32
        %dma_start3A_518 = arith.constant 0 : i32
        %dma_start3A_519 = tpu.memref_slice %arg3[%dma_start3A_517, %dma_start3A_518] : memref<1000000x64xf32, #tpu.memory_space<hbm>> -> memref<1000000x64xf32, #tpu.memory_space<hbm>>
        tpu.enqueue_indirect_dma source(%dma_start3A_519 : memref<1000000x64xf32, #tpu.memory_space<hbm>>) target(%dma_start3A_513 : memref<128x64xf32, #tpu.memory_space<vmem>>) offsets(%dma_start3A_516 : memref<128xi32, #tpu.memory_space<vmem>>) semaphore(%arg10 : memref<!tpu.dma_semaphore, #tpu.memory_space<semaphore_mem>>)
      } else {
      }
      %ge3A_367 = arith.constant 2 : i32
      %ge3A_368 = arith.cmpi sge, %add3A_353, %ge3A_367 : i32
      %convert_element_type3A_369 = arith.extui %ge3A_368 : i1 to i32
      %cond3A_370 = arith.constant 0 : i32
      %cond3A_371 = arith.cmpi ne, %convert_element_type3A_369, %cond3A_370 : i32
      scf.if %cond3A_371 {
        %sub3A_410 = arith.constant 2 : i32
        %sub3A_411 = arith.subi %add3A_353, %sub3A_410 : i32
        %mul3A_412 = arith.constant 2 : i32
        %mul3A_413 = arith.muli %sub3A_411, %mul3A_412 : i32
        %dma_wait3A_414 = arith.constant 0 : i32
        %dma_wait3A_415 = arith.constant 0 : i32
        %dma_wait3A_416 = arith.constant 0 : i32
        %dma_wait3A_417 = arith.constant 0 : i32
        %dma_wait3A_418 = arith.constant 0 : i32
        %dma_wait3A_419 = tpu.memref_slice %arg9[%dma_wait3A_414, %dma_wait3A_415, %dma_wait3A_416, %dma_wait3A_417, %dma_wait3A_418] : memref<2x8x1x8x129xf32, #tpu.memory_space<vmem>> -> memref<2x8x1x8x128xf32, #tpu.memory_space<vmem>>
        %dma_wait3A_420 = arith.constant 0 : i32
        %dma_wait3A_421 = arith.constant 0 : i32
        %dma_wait3A_422 = arith.constant 0 : i32
        %dma_wait3A_423 = tpu.memref_slice %arg4[%mul3A_413, %dma_wait3A_420, %add3A, %dma_wait3A_421, %dma_wait3A_422] : memref<200x8x32x8x128xf32, #tpu.memory_space<hbm>> -> memref<2x8x1x8x128xf32, #tpu.memory_space<hbm>>
        %dma_wait3A_424 = arith.constant 0 : i32
        %dma_wait3A_425 = arith.constant 0 : i32
        %dma_wait3A_426 = arith.constant 0 : i32
        %dma_wait3A_427 = tpu.memref_slice %arg4[%mul3A_413, %dma_wait3A_424, %add3A, %dma_wait3A_425, %dma_wait3A_426] : memref<200x8x32x8x128xf32, #tpu.memory_space<hbm>> -> memref<2x8x1x8x128xf32, #tpu.memory_space<hbm>>
        %dma_wait3A_428 = arith.constant 0 : i32
        %dma_wait3A_429 = arith.constant 0 : i32
        %dma_wait3A_430 = arith.constant 0 : i32
        %dma_wait3A_431 = arith.constant 0 : i32
        %dma_wait3A_432 = arith.constant 0 : i32
        %dma_wait3A_433 = tpu.memref_slice %arg9[%dma_wait3A_428, %dma_wait3A_429, %dma_wait3A_430, %dma_wait3A_431, %dma_wait3A_432] : memref<2x8x1x8x129xf32, #tpu.memory_space<vmem>> -> memref<2x8x1x8x128xf32, #tpu.memory_space<vmem>>
        tpu.wait_dma2 semaphore(%arg13 : memref<!tpu.dma_semaphore, #tpu.memory_space<semaphore_mem>>) src(%dma_wait3A_433 : memref<2x8x1x8x128xf32, #tpu.memory_space<vmem>>) dst(%dma_wait3A_427 : memref<2x8x1x8x128xf32, #tpu.memory_space<hbm>>)
      } else {
      }
      %broadcast_in_dim3A_372 = arith.constant 0 : i32
      %broadcast_in_dim3A_373 = vector.broadcast %broadcast_in_dim3A_372 : i32 to vector<16xi32>
      %scan3A_374 = arith.constant 0 : i32
      %scan3A_375 = arith.constant 0 : i32
      %scan3A_376 = arith.constant 128 : i32
      %scan3A_377 = arith.addi %scan3A_375, %scan3A_376 : i32
      %scan3A_378 = arith.constant 4 : i32
      scf.for %scan3A_410 = %scan3A_375 to %scan3A_377 step %scan3A_378  : i32 {
        %broadcast_in_dim3A_411 = vector.broadcast %scan3A_410 : i32 to vector<16xi32>
        %add3A_412 = arith.constant 0 : i32
        %add3A_413 = arith.addi %add3A_412, %scan3A_410 : i32
        %get3A = arith.index_cast %add3A_413 : i32 to index
        %get3A_414 = arith.constant 0 : index
        %get3A_415 = tpu.vector_load %arg7[%get3A, %get3A_414] {strides = array<i32>} : memref<256x64xf32, #tpu.memory_space<vmem>>, vector<16xf32>,
        %mul3A_416 = arith.constant 8.000000e+00 : f32
        %mul3A_417 = vector.broadcast %mul3A_416 : f32 to vector<16xf32>
        %mul3A_418 = arith.mulf %get3A_415, %mul3A_417 : vector<16xf32>
        tpu.vector_store_idx %arg9[%broadcast_in_dim3A_373, %add3A_26, %broadcast_in_dim3A_222, %select_n3A_152, %broadcast_in_dim3A_411], %mul3A_418 : memref<2x8x1x8x129xf32, #tpu.memory_space<vmem>>[vector<16xi32>, vector<16xi32>, vector<16xi32>, vector<16xi32>, vector<16xi32>], vector<16xf32>,
        %add3A_419 = arith.constant 0 : i32
        %add3A_420 = arith.addi %add3A_419, %scan3A_410 : i32
        %get3A_421 = arith.index_cast %add3A_420 : i32 to index
        %get3A_422 = arith.constant 16 : index
        %get3A_423 = tpu.vector_load %arg7[%get3A_421, %get3A_422] {strides = array<i32>} : memref<256x64xf32, #tpu.memory_space<vmem>>, vector<16xf32>,
        %mul3A_424 = arith.constant 8.000000e+00 : f32
        %mul3A_425 = vector.broadcast %mul3A_424 : f32 to vector<16xf32>
        %mul3A_426 = arith.mulf %get3A_423, %mul3A_425 : vector<16xf32>
        tpu.vector_store_idx %arg9[%broadcast_in_dim3A_373, %add3A_61, %broadcast_in_dim3A_222, %select_n3A_175, %broadcast_in_dim3A_411], %mul3A_426 : memref<2x8x1x8x129xf32, #tpu.memory_space<vmem>>[vector<16xi32>, vector<16xi32>, vector<16xi32>, vector<16xi32>, vector<16xi32>], vector<16xf32>,
        %add3A_427 = arith.constant 0 : i32
        %add3A_428 = arith.addi %add3A_427, %scan3A_410 : i32
        %get3A_429 = arith.index_cast %add3A_428 : i32 to index
        %get3A_430 = arith.constant 32 : index
        %get3A_431 = tpu.vector_load %arg7[%get3A_429, %get3A_430] {strides = array<i32>} : memref<256x64xf32, #tpu.memory_space<vmem>>, vector<16xf32>,
        %mul3A_432 = arith.constant 8.000000e+00 : f32
        %mul3A_433 = vector.broadcast %mul3A_432 : f32 to vector<16xf32>
        %mul3A_434 = arith.mulf %get3A_431, %mul3A_433 : vector<16xf32>
        tpu.vector_store_idx %arg9[%broadcast_in_dim3A_373, %add3A_96, %broadcast_in_dim3A_222, %select_n3A_198, %broadcast_in_dim3A_411], %mul3A_434 : memref<2x8x1x8x129xf32, #tpu.memory_space<vmem>>[vector<16xi32>, vector<16xi32>, vector<16xi32>, vector<16xi32>, vector<16xi32>], vector<16xf32>,
        %add3A_435 = arith.constant 0 : i32
        %add3A_436 = arith.addi %add3A_435, %scan3A_410 : i32
        %get3A_437 = arith.index_cast %add3A_436 : i32 to index
        %get3A_438 = arith.constant 48 : index
        %get3A_439 = tpu.vector_load %arg7[%get3A_437, %get3A_438] {strides = array<i32>} : memref<256x64xf32, #tpu.memory_space<vmem>>, vector<16xf32>,
        %mul3A_440 = arith.constant 8.000000e+00 : f32
        %mul3A_441 = vector.broadcast %mul3A_440 : f32 to vector<16xf32>
        %mul3A_442 = arith.mulf %get3A_439, %mul3A_441 : vector<16xf32>
        tpu.vector_store_idx %arg9[%broadcast_in_dim3A_373, %add3A_131, %broadcast_in_dim3A_222, %select_n3A_221, %broadcast_in_dim3A_411], %mul3A_442 : memref<2x8x1x8x129xf32, #tpu.memory_space<vmem>>[vector<16xi32>, vector<16xi32>, vector<16xi32>, vector<16xi32>, vector<16xi32>], vector<16xf32>,
        %scan3A_443 = arith.constant 1 : i32
        %scan3A_444 = arith.addi %scan3A_410, %scan3A_443 : i32
        %broadcast_in_dim3A_445 = vector.broadcast %scan3A_444 : i32 to vector<16xi32>
        %add3A_446 = arith.constant 0 : i32
        %add3A_447 = arith.addi %add3A_446, %scan3A_444 : i32
        %get3A_448 = arith.index_cast %add3A_447 : i32 to index
        %get3A_449 = arith.constant 0 : index
        %get3A_450 = tpu.vector_load %arg7[%get3A_448, %get3A_449] {strides = array<i32>} : memref<256x64xf32, #tpu.memory_space<vmem>>, vector<16xf32>,
        %mul3A_451 = arith.constant 8.000000e+00 : f32
        %mul3A_452 = vector.broadcast %mul3A_451 : f32 to vector<16xf32>
        %mul3A_453 = arith.mulf %get3A_450, %mul3A_452 : vector<16xf32>
        tpu.vector_store_idx %arg9[%broadcast_in_dim3A_373, %add3A_26, %broadcast_in_dim3A_222, %select_n3A_152, %broadcast_in_dim3A_445], %mul3A_453 : memref<2x8x1x8x129xf32, #tpu.memory_space<vmem>>[vector<16xi32>, vector<16xi32>, vector<16xi32>, vector<16xi32>, vector<16xi32>], vector<16xf32>,
        %add3A_454 = arith.constant 0 : i32
        %add3A_455 = arith.addi %add3A_454, %scan3A_444 : i32
        %get3A_456 = arith.index_cast %add3A_455 : i32 to index
        %get3A_457 = arith.constant 16 : index
        %get3A_458 = tpu.vector_load %arg7[%get3A_456, %get3A_457] {strides = array<i32>} : memref<256x64xf32, #tpu.memory_space<vmem>>, vector<16xf32>,
        %mul3A_459 = arith.constant 8.000000e+00 : f32
        %mul3A_460 = vector.broadcast %mul3A_459 : f32 to vector<16xf32>
        %mul3A_461 = arith.mulf %get3A_458, %mul3A_460 : vector<16xf32>
        tpu.vector_store_idx %arg9[%broadcast_in_dim3A_373, %add3A_61, %broadcast_in_dim3A_222, %select_n3A_175, %broadcast_in_dim3A_445], %mul3A_461 : memref<2x8x1x8x129xf32, #tpu.memory_space<vmem>>[vector<16xi32>, vector<16xi32>, vector<16xi32>, vector<16xi32>, vector<16xi32>], vector<16xf32>,
        %add3A_462 = arith.constant 0 : i32
        %add3A_463 = arith.addi %add3A_462, %scan3A_444 : i32
        %get3A_464 = arith.index_cast %add3A_463 : i32 to index
        %get3A_465 = arith.constant 32 : index
        %get3A_466 = tpu.vector_load %arg7[%get3A_464, %get3A_465] {strides = array<i32>} : memref<256x64xf32, #tpu.memory_space<vmem>>, vector<16xf32>,
        %mul3A_467 = arith.constant 8.000000e+00 : f32
        %mul3A_468 = vector.broadcast %mul3A_467 : f32 to vector<16xf32>
        %mul3A_469 = arith.mulf %get3A_466, %mul3A_468 : vector<16xf32>
        tpu.vector_store_idx %arg9[%broadcast_in_dim3A_373, %add3A_96, %broadcast_in_dim3A_222, %select_n3A_198, %broadcast_in_dim3A_445], %mul3A_469 : memref<2x8x1x8x129xf32, #tpu.memory_space<vmem>>[vector<16xi32>, vector<16xi32>, vector<16xi32>, vector<16xi32>, vector<16xi32>], vector<16xf32>,
        %add3A_470 = arith.constant 0 : i32
        %add3A_471 = arith.addi %add3A_470, %scan3A_444 : i32
        %get3A_472 = arith.index_cast %add3A_471 : i32 to index
        %get3A_473 = arith.constant 48 : index
        %get3A_474 = tpu.vector_load %arg7[%get3A_472, %get3A_473] {strides = array<i32>} : memref<256x64xf32, #tpu.memory_space<vmem>>, vector<16xf32>,
        %mul3A_475 = arith.constant 8.000000e+00 : f32
        %mul3A_476 = vector.broadcast %mul3A_475 : f32 to vector<16xf32>
        %mul3A_477 = arith.mulf %get3A_474, %mul3A_476 : vector<16xf32>
        tpu.vector_store_idx %arg9[%broadcast_in_dim3A_373, %add3A_131, %broadcast_in_dim3A_222, %select_n3A_221, %broadcast_in_dim3A_445], %mul3A_477 : memref<2x8x1x8x129xf32, #tpu.memory_space<vmem>>[vector<16xi32>, vector<16xi32>, vector<16xi32>, vector<16xi32>, vector<16xi32>], vector<16xf32>,
        %scan3A_478 = arith.constant 2 : i32
        %scan3A_479 = arith.addi %scan3A_410, %scan3A_478 : i32
        %broadcast_in_dim3A_480 = vector.broadcast %scan3A_479 : i32 to vector<16xi32>
        %add3A_481 = arith.constant 0 : i32
        %add3A_482 = arith.addi %add3A_481, %scan3A_479 : i32
        %get3A_483 = arith.index_cast %add3A_482 : i32 to index
        %get3A_484 = arith.constant 0 : index
        %get3A_485 = tpu.vector_load %arg7[%get3A_483, %get3A_484] {strides = array<i32>} : memref<256x64xf32, #tpu.memory_space<vmem>>, vector<16xf32>,
        %mul3A_486 = arith.constant 8.000000e+00 : f32
        %mul3A_487 = vector.broadcast %mul3A_486 : f32 to vector<16xf32>
        %mul3A_488 = arith.mulf %get3A_485, %mul3A_487 : vector<16xf32>
        tpu.vector_store_idx %arg9[%broadcast_in_dim3A_373, %add3A_26, %broadcast_in_dim3A_222, %select_n3A_152, %broadcast_in_dim3A_480], %mul3A_488 : memref<2x8x1x8x129xf32, #tpu.memory_space<vmem>>[vector<16xi32>, vector<16xi32>, vector<16xi32>, vector<16xi32>, vector<16xi32>], vector<16xf32>,
        %add3A_489 = arith.constant 0 : i32
        %add3A_490 = arith.addi %add3A_489, %scan3A_479 : i32
        %get3A_491 = arith.index_cast %add3A_490 : i32 to index
        %get3A_492 = arith.constant 16 : index
        %get3A_493 = tpu.vector_load %arg7[%get3A_491, %get3A_492] {strides = array<i32>} : memref<256x64xf32, #tpu.memory_space<vmem>>, vector<16xf32>,
        %mul3A_494 = arith.constant 8.000000e+00 : f32
        %mul3A_495 = vector.broadcast %mul3A_494 : f32 to vector<16xf32>
        %mul3A_496 = arith.mulf %get3A_493, %mul3A_495 : vector<16xf32>
        tpu.vector_store_idx %arg9[%broadcast_in_dim3A_373, %add3A_61, %broadcast_in_dim3A_222, %select_n3A_175, %broadcast_in_dim3A_480], %mul3A_496 : memref<2x8x1x8x129xf32, #tpu.memory_space<vmem>>[vector<16xi32>, vector<16xi32>, vector<16xi32>, vector<16xi32>, vector<16xi32>], vector<16xf32>,
        %add3A_497 = arith.constant 0 : i32
        %add3A_498 = arith.addi %add3A_497, %scan3A_479 : i32
        %get3A_499 = arith.index_cast %add3A_498 : i32 to index
        %get3A_500 = arith.constant 32 : index
        %get3A_501 = tpu.vector_load %arg7[%get3A_499, %get3A_500] {strides = array<i32>} : memref<256x64xf32, #tpu.memory_space<vmem>>, vector<16xf32>,
        %mul3A_502 = arith.constant 8.000000e+00 : f32
        %mul3A_503 = vector.broadcast %mul3A_502 : f32 to vector<16xf32>
        %mul3A_504 = arith.mulf %get3A_501, %mul3A_503 : vector<16xf32>
        tpu.vector_store_idx %arg9[%broadcast_in_dim3A_373, %add3A_96, %broadcast_in_dim3A_222, %select_n3A_198, %broadcast_in_dim3A_480], %mul3A_504 : memref<2x8x1x8x129xf32, #tpu.memory_space<vmem>>[vector<16xi32>, vector<16xi32>, vector<16xi32>, vector<16xi32>, vector<16xi32>], vector<16xf32>,
        %add3A_505 = arith.constant 0 : i32
        %add3A_506 = arith.addi %add3A_505, %scan3A_479 : i32
        %get3A_507 = arith.index_cast %add3A_506 : i32 to index
        %get3A_508 = arith.constant 48 : index
        %get3A_509 = tpu.vector_load %arg7[%get3A_507, %get3A_508] {strides = array<i32>} : memref<256x64xf32, #tpu.memory_space<vmem>>, vector<16xf32>,
        %mul3A_510 = arith.constant 8.000000e+00 : f32
        %mul3A_511 = vector.broadcast %mul3A_510 : f32 to vector<16xf32>
        %mul3A_512 = arith.mulf %get3A_509, %mul3A_511 : vector<16xf32>
        tpu.vector_store_idx %arg9[%broadcast_in_dim3A_373, %add3A_131, %broadcast_in_dim3A_222, %select_n3A_221, %broadcast_in_dim3A_480], %mul3A_512 : memref<2x8x1x8x129xf32, #tpu.memory_space<vmem>>[vector<16xi32>, vector<16xi32>, vector<16xi32>, vector<16xi32>, vector<16xi32>], vector<16xf32>,
        %scan3A_513 = arith.constant 3 : i32
        %scan3A_514 = arith.addi %scan3A_410, %scan3A_513 : i32
        %broadcast_in_dim3A_515 = vector.broadcast %scan3A_514 : i32 to vector<16xi32>
        %add3A_516 = arith.constant 0 : i32
        %add3A_517 = arith.addi %add3A_516, %scan3A_514 : i32
        %get3A_518 = arith.index_cast %add3A_517 : i32 to index
        %get3A_519 = arith.constant 0 : index
        %get3A_520 = tpu.vector_load %arg7[%get3A_518, %get3A_519] {strides = array<i32>} : memref<256x64xf32, #tpu.memory_space<vmem>>, vector<16xf32>,
        %mul3A_521 = arith.constant 8.000000e+00 : f32
        %mul3A_522 = vector.broadcast %mul3A_521 : f32 to vector<16xf32>
        %mul3A_523 = arith.mulf %get3A_520, %mul3A_522 : vector<16xf32>
        tpu.vector_store_idx %arg9[%broadcast_in_dim3A_373, %add3A_26, %broadcast_in_dim3A_222, %select_n3A_152, %broadcast_in_dim3A_515], %mul3A_523 : memref<2x8x1x8x129xf32, #tpu.memory_space<vmem>>[vector<16xi32>, vector<16xi32>, vector<16xi32>, vector<16xi32>, vector<16xi32>], vector<16xf32>,
        %add3A_524 = arith.constant 0 : i32
        %add3A_525 = arith.addi %add3A_524, %scan3A_514 : i32
        %get3A_526 = arith.index_cast %add3A_525 : i32 to index
        %get3A_527 = arith.constant 16 : index
        %get3A_528 = tpu.vector_load %arg7[%get3A_526, %get3A_527] {strides = array<i32>} : memref<256x64xf32, #tpu.memory_space<vmem>>, vector<16xf32>,
        %mul3A_529 = arith.constant 8.000000e+00 : f32
        %mul3A_530 = vector.broadcast %mul3A_529 : f32 to vector<16xf32>
        %mul3A_531 = arith.mulf %get3A_528, %mul3A_530 : vector<16xf32>
        tpu.vector_store_idx %arg9[%broadcast_in_dim3A_373, %add3A_61, %broadcast_in_dim3A_222, %select_n3A_175, %broadcast_in_dim3A_515], %mul3A_531 : memref<2x8x1x8x129xf32, #tpu.memory_space<vmem>>[vector<16xi32>, vector<16xi32>, vector<16xi32>, vector<16xi32>, vector<16xi32>], vector<16xf32>,
        %add3A_532 = arith.constant 0 : i32
        %add3A_533 = arith.addi %add3A_532, %scan3A_514 : i32
        %get3A_534 = arith.index_cast %add3A_533 : i32 to index
        %get3A_535 = arith.constant 32 : index
        %get3A_536 = tpu.vector_load %arg7[%get3A_534, %get3A_535] {strides = array<i32>} : memref<256x64xf32, #tpu.memory_space<vmem>>, vector<16xf32>,
        %mul3A_537 = arith.constant 8.000000e+00 : f32
        %mul3A_538 = vector.broadcast %mul3A_537 : f32 to vector<16xf32>
        %mul3A_539 = arith.mulf %get3A_536, %mul3A_538 : vector<16xf32>
        tpu.vector_store_idx %arg9[%broadcast_in_dim3A_373, %add3A_96, %broadcast_in_dim3A_222, %select_n3A_198, %broadcast_in_dim3A_515], %mul3A_539 : memref<2x8x1x8x129xf32, #tpu.memory_space<vmem>>[vector<16xi32>, vector<16xi32>, vector<16xi32>, vector<16xi32>, vector<16xi32>], vector<16xf32>,
        %add3A_540 = arith.constant 0 : i32
        %add3A_541 = arith.addi %add3A_540, %scan3A_514 : i32
        %get3A_542 = arith.index_cast %add3A_541 : i32 to index
        %get3A_543 = arith.constant 48 : index
        %get3A_544 = tpu.vector_load %arg7[%get3A_542, %get3A_543] {strides = array<i32>} : memref<256x64xf32, #tpu.memory_space<vmem>>, vector<16xf32>,
        %mul3A_545 = arith.constant 8.000000e+00 : f32
        %mul3A_546 = vector.broadcast %mul3A_545 : f32 to vector<16xf32>
        %mul3A_547 = arith.mulf %get3A_544, %mul3A_546 : vector<16xf32>
        tpu.vector_store_idx %arg9[%broadcast_in_dim3A_373, %add3A_131, %broadcast_in_dim3A_222, %select_n3A_221, %broadcast_in_dim3A_515], %mul3A_547 : memref<2x8x1x8x129xf32, #tpu.memory_space<vmem>>[vector<16xi32>, vector<16xi32>, vector<16xi32>, vector<16xi32>, vector<16xi32>], vector<16xf32>,
      }
      %scan3A_379 = arith.constant 128 : i32
      %broadcast_in_dim3A_380 = arith.constant 1 : i32
      %broadcast_in_dim3A_381 = vector.broadcast %broadcast_in_dim3A_380 : i32 to vector<16xi32>
      %scan3A_382 = arith.constant 0 : i32
      %scan3A_383 = arith.constant 0 : i32
      %scan3A_384 = arith.constant 128 : i32
      %scan3A_385 = arith.addi %scan3A_383, %scan3A_384 : i32
      %scan3A_386 = arith.constant 4 : i32
      scf.for %scan3A_410 = %scan3A_383 to %scan3A_385 step %scan3A_386  : i32 {
        %broadcast_in_dim3A_411 = vector.broadcast %scan3A_410 : i32 to vector<16xi32>
        %add3A_412 = arith.constant 128 : i32
        %add3A_413 = arith.addi %add3A_412, %scan3A_410 : i32
        %get3A = arith.index_cast %add3A_413 : i32 to index
        %get3A_414 = arith.constant 0 : index
        %get3A_415 = tpu.vector_load %arg7[%get3A, %get3A_414] {strides = array<i32>} : memref<256x64xf32, #tpu.memory_space<vmem>>, vector<16xf32>,
        %mul3A_416 = arith.constant 8.000000e+00 : f32
        %mul3A_417 = vector.broadcast %mul3A_416 : f32 to vector<16xf32>
        %mul3A_418 = arith.mulf %get3A_415, %mul3A_417 : vector<16xf32>
        tpu.vector_store_idx %arg9[%broadcast_in_dim3A_381, %add3A_26, %broadcast_in_dim3A_222, %select_n3A_152, %broadcast_in_dim3A_411], %mul3A_418 : memref<2x8x1x8x129xf32, #tpu.memory_space<vmem>>[vector<16xi32>, vector<16xi32>, vector<16xi32>, vector<16xi32>, vector<16xi32>], vector<16xf32>,
        %add3A_419 = arith.constant 128 : i32
        %add3A_420 = arith.addi %add3A_419, %scan3A_410 : i32
        %get3A_421 = arith.index_cast %add3A_420 : i32 to index
        %get3A_422 = arith.constant 16 : index
        %get3A_423 = tpu.vector_load %arg7[%get3A_421, %get3A_422] {strides = array<i32>} : memref<256x64xf32, #tpu.memory_space<vmem>>, vector<16xf32>,
        %mul3A_424 = arith.constant 8.000000e+00 : f32
        %mul3A_425 = vector.broadcast %mul3A_424 : f32 to vector<16xf32>
        %mul3A_426 = arith.mulf %get3A_423, %mul3A_425 : vector<16xf32>
        tpu.vector_store_idx %arg9[%broadcast_in_dim3A_381, %add3A_61, %broadcast_in_dim3A_222, %select_n3A_175, %broadcast_in_dim3A_411], %mul3A_426 : memref<2x8x1x8x129xf32, #tpu.memory_space<vmem>>[vector<16xi32>, vector<16xi32>, vector<16xi32>, vector<16xi32>, vector<16xi32>], vector<16xf32>,
        %add3A_427 = arith.constant 128 : i32
        %add3A_428 = arith.addi %add3A_427, %scan3A_410 : i32
        %get3A_429 = arith.index_cast %add3A_428 : i32 to index
        %get3A_430 = arith.constant 32 : index
        %get3A_431 = tpu.vector_load %arg7[%get3A_429, %get3A_430] {strides = array<i32>} : memref<256x64xf32, #tpu.memory_space<vmem>>, vector<16xf32>,
        %mul3A_432 = arith.constant 8.000000e+00 : f32
        %mul3A_433 = vector.broadcast %mul3A_432 : f32 to vector<16xf32>
        %mul3A_434 = arith.mulf %get3A_431, %mul3A_433 : vector<16xf32>
        tpu.vector_store_idx %arg9[%broadcast_in_dim3A_381, %add3A_96, %broadcast_in_dim3A_222, %select_n3A_198, %broadcast_in_dim3A_411], %mul3A_434 : memref<2x8x1x8x129xf32, #tpu.memory_space<vmem>>[vector<16xi32>, vector<16xi32>, vector<16xi32>, vector<16xi32>, vector<16xi32>], vector<16xf32>,
        %add3A_435 = arith.constant 128 : i32
        %add3A_436 = arith.addi %add3A_435, %scan3A_410 : i32
        %get3A_437 = arith.index_cast %add3A_436 : i32 to index
        %get3A_438 = arith.constant 48 : index
        %get3A_439 = tpu.vector_load %arg7[%get3A_437, %get3A_438] {strides = array<i32>} : memref<256x64xf32, #tpu.memory_space<vmem>>, vector<16xf32>,
        %mul3A_440 = arith.constant 8.000000e+00 : f32
        %mul3A_441 = vector.broadcast %mul3A_440 : f32 to vector<16xf32>
        %mul3A_442 = arith.mulf %get3A_439, %mul3A_441 : vector<16xf32>
        tpu.vector_store_idx %arg9[%broadcast_in_dim3A_381, %add3A_131, %broadcast_in_dim3A_222, %select_n3A_221, %broadcast_in_dim3A_411], %mul3A_442 : memref<2x8x1x8x129xf32, #tpu.memory_space<vmem>>[vector<16xi32>, vector<16xi32>, vector<16xi32>, vector<16xi32>, vector<16xi32>], vector<16xf32>,
        %scan3A_443 = arith.constant 1 : i32
        %scan3A_444 = arith.addi %scan3A_410, %scan3A_443 : i32
        %broadcast_in_dim3A_445 = vector.broadcast %scan3A_444 : i32 to vector<16xi32>
        %add3A_446 = arith.constant 128 : i32
        %add3A_447 = arith.addi %add3A_446, %scan3A_444 : i32
        %get3A_448 = arith.index_cast %add3A_447 : i32 to index
        %get3A_449 = arith.constant 0 : index
        %get3A_450 = tpu.vector_load %arg7[%get3A_448, %get3A_449] {strides = array<i32>} : memref<256x64xf32, #tpu.memory_space<vmem>>, vector<16xf32>,
        %mul3A_451 = arith.constant 8.000000e+00 : f32
        %mul3A_452 = vector.broadcast %mul3A_451 : f32 to vector<16xf32>
        %mul3A_453 = arith.mulf %get3A_450, %mul3A_452 : vector<16xf32>
        tpu.vector_store_idx %arg9[%broadcast_in_dim3A_381, %add3A_26, %broadcast_in_dim3A_222, %select_n3A_152, %broadcast_in_dim3A_445], %mul3A_453 : memref<2x8x1x8x129xf32, #tpu.memory_space<vmem>>[vector<16xi32>, vector<16xi32>, vector<16xi32>, vector<16xi32>, vector<16xi32>], vector<16xf32>,
        %add3A_454 = arith.constant 128 : i32
        %add3A_455 = arith.addi %add3A_454, %scan3A_444 : i32
        %get3A_456 = arith.index_cast %add3A_455 : i32 to index
        %get3A_457 = arith.constant 16 : index
        %get3A_458 = tpu.vector_load %arg7[%get3A_456, %get3A_457] {strides = array<i32>} : memref<256x64xf32, #tpu.memory_space<vmem>>, vector<16xf32>,
        %mul3A_459 = arith.constant 8.000000e+00 : f32
        %mul3A_460 = vector.broadcast %mul3A_459 : f32 to vector<16xf32>
        %mul3A_461 = arith.mulf %get3A_458, %mul3A_460 : vector<16xf32>
        tpu.vector_store_idx %arg9[%broadcast_in_dim3A_381, %add3A_61, %broadcast_in_dim3A_222, %select_n3A_175, %broadcast_in_dim3A_445], %mul3A_461 : memref<2x8x1x8x129xf32, #tpu.memory_space<vmem>>[vector<16xi32>, vector<16xi32>, vector<16xi32>, vector<16xi32>, vector<16xi32>], vector<16xf32>,
        %add3A_462 = arith.constant 128 : i32
        %add3A_463 = arith.addi %add3A_462, %scan3A_444 : i32
        %get3A_464 = arith.index_cast %add3A_463 : i32 to index
        %get3A_465 = arith.constant 32 : index
        %get3A_466 = tpu.vector_load %arg7[%get3A_464, %get3A_465] {strides = array<i32>} : memref<256x64xf32, #tpu.memory_space<vmem>>, vector<16xf32>,
        %mul3A_467 = arith.constant 8.000000e+00 : f32
        %mul3A_468 = vector.broadcast %mul3A_467 : f32 to vector<16xf32>
        %mul3A_469 = arith.mulf %get3A_466, %mul3A_468 : vector<16xf32>
        tpu.vector_store_idx %arg9[%broadcast_in_dim3A_381, %add3A_96, %broadcast_in_dim3A_222, %select_n3A_198, %broadcast_in_dim3A_445], %mul3A_469 : memref<2x8x1x8x129xf32, #tpu.memory_space<vmem>>[vector<16xi32>, vector<16xi32>, vector<16xi32>, vector<16xi32>, vector<16xi32>], vector<16xf32>,
        %add3A_470 = arith.constant 128 : i32
        %add3A_471 = arith.addi %add3A_470, %scan3A_444 : i32
        %get3A_472 = arith.index_cast %add3A_471 : i32 to index
        %get3A_473 = arith.constant 48 : index
        %get3A_474 = tpu.vector_load %arg7[%get3A_472, %get3A_473] {strides = array<i32>} : memref<256x64xf32, #tpu.memory_space<vmem>>, vector<16xf32>,
        %mul3A_475 = arith.constant 8.000000e+00 : f32
        %mul3A_476 = vector.broadcast %mul3A_475 : f32 to vector<16xf32>
        %mul3A_477 = arith.mulf %get3A_474, %mul3A_476 : vector<16xf32>
        tpu.vector_store_idx %arg9[%broadcast_in_dim3A_381, %add3A_131, %broadcast_in_dim3A_222, %select_n3A_221, %broadcast_in_dim3A_445], %mul3A_477 : memref<2x8x1x8x129xf32, #tpu.memory_space<vmem>>[vector<16xi32>, vector<16xi32>, vector<16xi32>, vector<16xi32>, vector<16xi32>], vector<16xf32>,
        %scan3A_478 = arith.constant 2 : i32
        %scan3A_479 = arith.addi %scan3A_410, %scan3A_478 : i32
        %broadcast_in_dim3A_480 = vector.broadcast %scan3A_479 : i32 to vector<16xi32>
        %add3A_481 = arith.constant 128 : i32
        %add3A_482 = arith.addi %add3A_481, %scan3A_479 : i32
        %get3A_483 = arith.index_cast %add3A_482 : i32 to index
        %get3A_484 = arith.constant 0 : index
        %get3A_485 = tpu.vector_load %arg7[%get3A_483, %get3A_484] {strides = array<i32>} : memref<256x64xf32, #tpu.memory_space<vmem>>, vector<16xf32>,
        %mul3A_486 = arith.constant 8.000000e+00 : f32
        %mul3A_487 = vector.broadcast %mul3A_486 : f32 to vector<16xf32>
        %mul3A_488 = arith.mulf %get3A_485, %mul3A_487 : vector<16xf32>
        tpu.vector_store_idx %arg9[%broadcast_in_dim3A_381, %add3A_26, %broadcast_in_dim3A_222, %select_n3A_152, %broadcast_in_dim3A_480], %mul3A_488 : memref<2x8x1x8x129xf32, #tpu.memory_space<vmem>>[vector<16xi32>, vector<16xi32>, vector<16xi32>, vector<16xi32>, vector<16xi32>], vector<16xf32>,
        %add3A_489 = arith.constant 128 : i32
        %add3A_490 = arith.addi %add3A_489, %scan3A_479 : i32
        %get3A_491 = arith.index_cast %add3A_490 : i32 to index
        %get3A_492 = arith.constant 16 : index
        %get3A_493 = tpu.vector_load %arg7[%get3A_491, %get3A_492] {strides = array<i32>} : memref<256x64xf32, #tpu.memory_space<vmem>>, vector<16xf32>,
        %mul3A_494 = arith.constant 8.000000e+00 : f32
        %mul3A_495 = vector.broadcast %mul3A_494 : f32 to vector<16xf32>
        %mul3A_496 = arith.mulf %get3A_493, %mul3A_495 : vector<16xf32>
        tpu.vector_store_idx %arg9[%broadcast_in_dim3A_381, %add3A_61, %broadcast_in_dim3A_222, %select_n3A_175, %broadcast_in_dim3A_480], %mul3A_496 : memref<2x8x1x8x129xf32, #tpu.memory_space<vmem>>[vector<16xi32>, vector<16xi32>, vector<16xi32>, vector<16xi32>, vector<16xi32>], vector<16xf32>,
        %add3A_497 = arith.constant 128 : i32
        %add3A_498 = arith.addi %add3A_497, %scan3A_479 : i32
        %get3A_499 = arith.index_cast %add3A_498 : i32 to index
        %get3A_500 = arith.constant 32 : index
        %get3A_501 = tpu.vector_load %arg7[%get3A_499, %get3A_500] {strides = array<i32>} : memref<256x64xf32, #tpu.memory_space<vmem>>, vector<16xf32>,
        %mul3A_502 = arith.constant 8.000000e+00 : f32
        %mul3A_503 = vector.broadcast %mul3A_502 : f32 to vector<16xf32>
        %mul3A_504 = arith.mulf %get3A_501, %mul3A_503 : vector<16xf32>
        tpu.vector_store_idx %arg9[%broadcast_in_dim3A_381, %add3A_96, %broadcast_in_dim3A_222, %select_n3A_198, %broadcast_in_dim3A_480], %mul3A_504 : memref<2x8x1x8x129xf32, #tpu.memory_space<vmem>>[vector<16xi32>, vector<16xi32>, vector<16xi32>, vector<16xi32>, vector<16xi32>], vector<16xf32>,
        %add3A_505 = arith.constant 128 : i32
        %add3A_506 = arith.addi %add3A_505, %scan3A_479 : i32
        %get3A_507 = arith.index_cast %add3A_506 : i32 to index
        %get3A_508 = arith.constant 48 : index
        %get3A_509 = tpu.vector_load %arg7[%get3A_507, %get3A_508] {strides = array<i32>} : memref<256x64xf32, #tpu.memory_space<vmem>>, vector<16xf32>,
        %mul3A_510 = arith.constant 8.000000e+00 : f32
        %mul3A_511 = vector.broadcast %mul3A_510 : f32 to vector<16xf32>
        %mul3A_512 = arith.mulf %get3A_509, %mul3A_511 : vector<16xf32>
        tpu.vector_store_idx %arg9[%broadcast_in_dim3A_381, %add3A_131, %broadcast_in_dim3A_222, %select_n3A_221, %broadcast_in_dim3A_480], %mul3A_512 : memref<2x8x1x8x129xf32, #tpu.memory_space<vmem>>[vector<16xi32>, vector<16xi32>, vector<16xi32>, vector<16xi32>, vector<16xi32>], vector<16xf32>,
        %scan3A_513 = arith.constant 3 : i32
        %scan3A_514 = arith.addi %scan3A_410, %scan3A_513 : i32
        %broadcast_in_dim3A_515 = vector.broadcast %scan3A_514 : i32 to vector<16xi32>
        %add3A_516 = arith.constant 128 : i32
        %add3A_517 = arith.addi %add3A_516, %scan3A_514 : i32
        %get3A_518 = arith.index_cast %add3A_517 : i32 to index
        %get3A_519 = arith.constant 0 : index
        %get3A_520 = tpu.vector_load %arg7[%get3A_518, %get3A_519] {strides = array<i32>} : memref<256x64xf32, #tpu.memory_space<vmem>>, vector<16xf32>,
        %mul3A_521 = arith.constant 8.000000e+00 : f32
        %mul3A_522 = vector.broadcast %mul3A_521 : f32 to vector<16xf32>
        %mul3A_523 = arith.mulf %get3A_520, %mul3A_522 : vector<16xf32>
        tpu.vector_store_idx %arg9[%broadcast_in_dim3A_381, %add3A_26, %broadcast_in_dim3A_222, %select_n3A_152, %broadcast_in_dim3A_515], %mul3A_523 : memref<2x8x1x8x129xf32, #tpu.memory_space<vmem>>[vector<16xi32>, vector<16xi32>, vector<16xi32>, vector<16xi32>, vector<16xi32>], vector<16xf32>,
        %add3A_524 = arith.constant 128 : i32
        %add3A_525 = arith.addi %add3A_524, %scan3A_514 : i32
        %get3A_526 = arith.index_cast %add3A_525 : i32 to index
        %get3A_527 = arith.constant 16 : index
        %get3A_528 = tpu.vector_load %arg7[%get3A_526, %get3A_527] {strides = array<i32>} : memref<256x64xf32, #tpu.memory_space<vmem>>, vector<16xf32>,
        %mul3A_529 = arith.constant 8.000000e+00 : f32
        %mul3A_530 = vector.broadcast %mul3A_529 : f32 to vector<16xf32>
        %mul3A_531 = arith.mulf %get3A_528, %mul3A_530 : vector<16xf32>
        tpu.vector_store_idx %arg9[%broadcast_in_dim3A_381, %add3A_61, %broadcast_in_dim3A_222, %select_n3A_175, %broadcast_in_dim3A_515], %mul3A_531 : memref<2x8x1x8x129xf32, #tpu.memory_space<vmem>>[vector<16xi32>, vector<16xi32>, vector<16xi32>, vector<16xi32>, vector<16xi32>], vector<16xf32>,
        %add3A_532 = arith.constant 128 : i32
        %add3A_533 = arith.addi %add3A_532, %scan3A_514 : i32
        %get3A_534 = arith.index_cast %add3A_533 : i32 to index
        %get3A_535 = arith.constant 32 : index
        %get3A_536 = tpu.vector_load %arg7[%get3A_534, %get3A_535] {strides = array<i32>} : memref<256x64xf32, #tpu.memory_space<vmem>>, vector<16xf32>,
        %mul3A_537 = arith.constant 8.000000e+00 : f32
        %mul3A_538 = vector.broadcast %mul3A_537 : f32 to vector<16xf32>
        %mul3A_539 = arith.mulf %get3A_536, %mul3A_538 : vector<16xf32>
        tpu.vector_store_idx %arg9[%broadcast_in_dim3A_381, %add3A_96, %broadcast_in_dim3A_222, %select_n3A_198, %broadcast_in_dim3A_515], %mul3A_539 : memref<2x8x1x8x129xf32, #tpu.memory_space<vmem>>[vector<16xi32>, vector<16xi32>, vector<16xi32>, vector<16xi32>, vector<16xi32>], vector<16xf32>,
        %add3A_540 = arith.constant 128 : i32
        %add3A_541 = arith.addi %add3A_540, %scan3A_514 : i32
        %get3A_542 = arith.index_cast %add3A_541 : i32 to index
        %get3A_543 = arith.constant 48 : index
        %get3A_544 = tpu.vector_load %arg7[%get3A_542, %get3A_543] {strides = array<i32>} : memref<256x64xf32, #tpu.memory_space<vmem>>, vector<16xf32>,
        %mul3A_545 = arith.constant 8.000000e+00 : f32
        %mul3A_546 = vector.broadcast %mul3A_545 : f32 to vector<16xf32>
        %mul3A_547 = arith.mulf %get3A_544, %mul3A_546 : vector<16xf32>
        tpu.vector_store_idx %arg9[%broadcast_in_dim3A_381, %add3A_131, %broadcast_in_dim3A_222, %select_n3A_221, %broadcast_in_dim3A_515], %mul3A_547 : memref<2x8x1x8x129xf32, #tpu.memory_space<vmem>>[vector<16xi32>, vector<16xi32>, vector<16xi32>, vector<16xi32>, vector<16xi32>], vector<16xf32>,
      }
      %scan3A_387 = arith.constant 128 : i32
      %mul3A_388 = arith.constant 2 : i32
      %mul3A_389 = arith.muli %add3A_353, %mul3A_388 : i32
      %dma_start3A_390 = arith.constant 0 : i32
      %dma_start3A_391 = arith.constant 0 : i32
      %dma_start3A_392 = arith.constant 0 : i32
      %dma_start3A_393 = arith.constant 0 : i32
      %dma_start3A_394 = arith.constant 0 : i32
      %dma_start3A_395 = tpu.memref_slice %arg9[%dma_start3A_390, %dma_start3A_391, %dma_start3A_392, %dma_start3A_393, %dma_start3A_394] : memref<2x8x1x8x129xf32, #tpu.memory_space<vmem>> -> memref<2x8x1x8x128xf32, #tpu.memory_space<vmem>>
      %dma_start3A_396 = arith.constant 0 : i32
      %dma_start3A_397 = arith.constant 0 : i32
      %dma_start3A_398 = arith.constant 0 : i32
      %dma_start3A_399 = tpu.memref_slice %arg4[%mul3A_389, %dma_start3A_396, %add3A, %dma_start3A_397, %dma_start3A_398] : memref<200x8x32x8x128xf32, #tpu.memory_space<hbm>> -> memref<2x8x1x8x128xf32, #tpu.memory_space<hbm>>
      %dma_start3A_400 = arith.constant 0 : i32
      %dma_start3A_401 = arith.constant 0 : i32
      %dma_start3A_402 = arith.constant 0 : i32
      %dma_start3A_403 = tpu.memref_slice %arg4[%mul3A_389, %dma_start3A_400, %add3A, %dma_start3A_401, %dma_start3A_402] : memref<200x8x32x8x128xf32, #tpu.memory_space<hbm>> -> memref<2x8x1x8x128xf32, #tpu.memory_space<hbm>>
      %dma_start3A_404 = arith.constant 0 : i32
      %dma_start3A_405 = arith.constant 0 : i32
      %dma_start3A_406 = arith.constant 0 : i32
      %dma_start3A_407 = arith.constant 0 : i32
      %dma_start3A_408 = arith.constant 0 : i32
      %dma_start3A_409 = tpu.memref_slice %arg9[%dma_start3A_404, %dma_start3A_405, %dma_start3A_406, %dma_start3A_407, %dma_start3A_408] : memref<2x8x1x8x129xf32, #tpu.memory_space<vmem>> -> memref<2x8x1x8x128xf32, #tpu.memory_space<vmem>>
      tpu.enqueue_dma source(%dma_start3A_409 : memref<2x8x1x8x128xf32, #tpu.memory_space<vmem>>) target(%dma_start3A_403 : memref<2x8x1x8x128xf32, #tpu.memory_space<hbm>>) target_semaphore(%arg13 : memref<!tpu.dma_semaphore, #tpu.memory_space<semaphore_mem>>)
    }
    %scan3A_250 = arith.constant 50 : i32
    %dma_wait3A = arith.constant 0 : i32
    %dma_wait3A_251 = arith.constant 0 : i32
    %dma_wait3A_252 = arith.constant 0 : i32
    %dma_wait3A_253 = arith.constant 0 : i32
    %dma_wait3A_254 = arith.constant 0 : i32
    %dma_wait3A_255 = tpu.memref_slice %arg8[%dma_wait3A, %dma_wait3A_251, %dma_wait3A_252, %dma_wait3A_253, %dma_wait3A_254] : memref<2x8x1x8x129xf32, #tpu.memory_space<vmem>> -> memref<2x8x1x8x128xf32, #tpu.memory_space<vmem>>
    %dma_wait3A_256 = arith.constant 196 : i32
    %dma_wait3A_257 = arith.constant 0 : i32
    %dma_wait3A_258 = arith.constant 0 : i32
    %dma_wait3A_259 = arith.constant 0 : i32
    %dma_wait3A_260 = tpu.memref_slice %arg4[%dma_wait3A_256, %dma_wait3A_257, %add3A, %dma_wait3A_258, %dma_wait3A_259] : memref<200x8x32x8x128xf32, #tpu.memory_space<hbm>> -> memref<2x8x1x8x128xf32, #tpu.memory_space<hbm>>
    %dma_wait3A_261 = arith.constant 196 : i32
    %dma_wait3A_262 = arith.constant 0 : i32
    %dma_wait3A_263 = arith.constant 0 : i32
    %dma_wait3A_264 = arith.constant 0 : i32
    %dma_wait3A_265 = tpu.memref_slice %arg4[%dma_wait3A_261, %dma_wait3A_262, %add3A, %dma_wait3A_263, %dma_wait3A_264] : memref<200x8x32x8x128xf32, #tpu.memory_space<hbm>> -> memref<2x8x1x8x128xf32, #tpu.memory_space<hbm>>
    %dma_wait3A_266 = arith.constant 0 : i32
    %dma_wait3A_267 = arith.constant 0 : i32
    %dma_wait3A_268 = arith.constant 0 : i32
    %dma_wait3A_269 = arith.constant 0 : i32
    %dma_wait3A_270 = arith.constant 0 : i32
    %dma_wait3A_271 = tpu.memref_slice %arg8[%dma_wait3A_266, %dma_wait3A_267, %dma_wait3A_268, %dma_wait3A_269, %dma_wait3A_270] : memref<2x8x1x8x129xf32, #tpu.memory_space<vmem>> -> memref<2x8x1x8x128xf32, #tpu.memory_space<vmem>>
    tpu.wait_dma2 semaphore(%arg12 : memref<!tpu.dma_semaphore, #tpu.memory_space<semaphore_mem>>) src(%dma_wait3A_271 : memref<2x8x1x8x128xf32, #tpu.memory_space<vmem>>) dst(%dma_wait3A_265 : memref<2x8x1x8x128xf32, #tpu.memory_space<hbm>>)
    %dma_wait3A_272 = arith.constant 0 : i32
    %dma_wait3A_273 = arith.constant 0 : i32
    %dma_wait3A_274 = arith.constant 0 : i32
    %dma_wait3A_275 = arith.constant 0 : i32
    %dma_wait3A_276 = arith.constant 0 : i32
    %dma_wait3A_277 = tpu.memref_slice %arg9[%dma_wait3A_272, %dma_wait3A_273, %dma_wait3A_274, %dma_wait3A_275, %dma_wait3A_276] : memref<2x8x1x8x129xf32, #tpu.memory_space<vmem>> -> memref<2x8x1x8x128xf32, #tpu.memory_space<vmem>>
    %dma_wait3A_278 = arith.constant 198 : i32
    %dma_wait3A_279 = arith.constant 0 : i32
    %dma_wait3A_280 = arith.constant 0 : i32
    %dma_wait3A_281 = arith.constant 0 : i32
    %dma_wait3A_282 = tpu.memref_slice %arg4[%dma_wait3A_278, %dma_wait3A_279, %add3A, %dma_wait3A_280, %dma_wait3A_281] : memref<200x8x32x8x128xf32, #tpu.memory_space<hbm>> -> memref<2x8x1x8x128xf32, #tpu.memory_space<hbm>>
    %dma_wait3A_283 = arith.constant 198 : i32
    %dma_wait3A_284 = arith.constant 0 : i32
    %dma_wait3A_285 = arith.constant 0 : i32
    %dma_wait3A_286 = arith.constant 0 : i32
    %dma_wait3A_287 = tpu.memref_slice %arg4[%dma_wait3A_283, %dma_wait3A_284, %add3A, %dma_wait3A_285, %dma_wait3A_286] : memref<200x8x32x8x128xf32, #tpu.memory_space<hbm>> -> memref<2x8x1x8x128xf32, #tpu.memory_space<hbm>>
    %dma_wait3A_288 = arith.constant 0 : i32
    %dma_wait3A_289 = arith.constant 0 : i32
    %dma_wait3A_290 = arith.constant 0 : i32
    %dma_wait3A_291 = arith.constant 0 : i32
    %dma_wait3A_292 = arith.constant 0 : i32
    %dma_wait3A_293 = tpu.memref_slice %arg9[%dma_wait3A_288, %dma_wait3A_289, %dma_wait3A_290, %dma_wait3A_291, %dma_wait3A_292] : memref<2x8x1x8x129xf32, #tpu.memory_space<vmem>> -> memref<2x8x1x8x128xf32, #tpu.memory_space<vmem>>
    tpu.wait_dma2 semaphore(%arg13 : memref<!tpu.dma_semaphore, #tpu.memory_space<semaphore_mem>>) src(%dma_wait3A_293 : memref<2x8x1x8x128xf32, #tpu.memory_space<vmem>>) dst(%dma_wait3A_287 : memref<2x8x1x8x128xf32, #tpu.memory_space<hbm>>)
    return
  }
}

</mosaic_0001>

<sc_bundles>
// kernel: _embed_lookup.3.cloned.1.call-start
scs
__scs_entry_jumppad:
0x0: {  	(pc) =	sbr.rel $0x88, $3  }
0x1: {  	(tag) =	ssettag $0x0;
	lr =	simm.s32 $0x1  }
0x2: {  	[smem:$0x3F9F] =	sst lr;
	_ =	strace $0xD0000000  }
0x3: {  	_ = 	snop  }
0x4: {  	_ = 	snop  }
0x5: {  	_ = 	snop  }
0x6: {  	_ = 	snop  }
0x7: {  	_ = 	snop  }
__scs_overlays_trampoline_lowered:
0x8: {  	[smem:$0x3FAE] =	sst s0  }
0x9: {  	[smem:$0x3FAF] =	sst s1  }
0xa: {  	[smem:$0x3FB0] =	sst s2  }
0xb: {  	[smem:$0x3FB1] =	sst s3  }
0xc: {  	[smem:$0x3FB2] =	sst s4  }
0xd: {  	[smem:$0x3FB3] =	sst s5  }
0xe: {  	[smem:$0x3FB4] =	sst s6  }
0xf: {  	[smem:$0x3FB5] =	sst s7  }
0x10: {  	[smem:$0x3FB6] =	sst s8  }
0x11: {  	[smem:$0x3FB7] =	sst s9;
	s0 =	simm.s32 @!p0 $0x0  }
0x12: {  	s1 =	sld [smem:$0x3F9D];
	s0 =	simm.s32 @p0 $0x1  }
0x13: {  	[smem:$0x3FB8] =	sst s0;
	s0 =	simm.s32 @!p1 $0x0  }
0x14: {  	s2 =	sld [smem:$0x3F9C];
	s0 =	simm.s32 @p1 $0x1  }
0x15: {  	[smem:$0x3FB9] =	sst s0;
	s0 =	simm.s32 @!p2 $0x0  }
0x16: {  	s3 =	sld [smem:$0x3FDB];
	s0 =	simm.s32 @p2 $0x1  }
0x17: {  	s4 =	simm.s32 $0x1BF5;
	[smem:$0x3FBB] =	sst s0  }
0x18: {  	s0 =	sld [smem:$0x3F9E];
	_ =	swait.ge [sflag:s4], $0x0  }
0x19: {  	s7 =	sld [smem:$0x3F9F]  }
0x1a: {  	s8 =	sadd.s32 $0xFFFFE003, lr  }
0x1b: {  	s9 =	sadd.s32 $0xFFFFFEF7, lr;
	s5 =	simm.s32 $0xFFFFFFFF;
	p2 =	slt.u32 s8, $0xFFFFF086  }
0x1c: {  	p1 =	slt.u32 s9, $0xF7A;
	s5 =	simm.s32 @!p2 $0x0  }
0x1d: {  	s5 =	simm.s32 @p1 $0x1;
	p0 =	seq.s32 s7, s2  }
0x1e: {  	s7 =	smul.u32 @!p0 $0xF7A, s2;
	p2 =	seq.s32 @!p0 s5, $0x0  }
0x1f: {  	s9 =	smul.u32 $0xF7A, s1;
	s8 =	simm.s32 @!p0 $0x1BF5;
	p2 =	por !p2, p0  }
0x20: {  	[sflag:s8] =	ssyncset.s32 @!p0 $0xFFFFF086;
	s6 =	sadd.s32 @!p0 s3, s7;
	s7 =	simm.s32 @!p0 $0x108  }
0x21: {  	s3 =	sadd.s32 s3, s9;
	s6 =	sadd.s32 @!p0 $0x88, s6;
	s7 =	simm.s32 @p2 $0x1082  }
0x22: {  	[simem:s7], [sflag:s8] =	dma.local @!p0 [hbm:s6], $0xF7A  }
0x23: {  	s9 =	sor.u32 $0xD0000000, s2;
	s6 =	simm.s32 $0x108;
	_ =	swait.ge @!p0 [sflag:s8], $0x0  }
0x24: {  	s3 =	sadd.s32 $0x88, s3;
	s6 =	simm.s32 @!p1 $0x1082;
	[sflag:s4] =	ssyncset.s32 $0xFFFFF086  }
0x25: {  	[simem:s6], [sflag:s4] =	dma.local [hbm:s3], $0xF7A  }
0x26: {  	[smem:$0x3F9F] =	sst s1;
	(tag) =	ssettag s2;
	_ =	strace s9  }
0x27: {  	s1 =	sld [smem:$0x3FAF]  }
0x28: {  	s2 =	sld [smem:$0x3FB0]  }
0x29: {  	s4 =	sld [smem:$0x3FB2]  }
0x2a: {  	p0 =	seq.s32 s5, $0x0;
	s5 =	sld [smem:$0x3FB3]  }
0x2b: {  	s6 =	sld [smem:$0x3FB4]  }
0x2c: {  	s7 =	sld [smem:$0x3FB5]  }
0x2d: {  	s3 =	simm.s32 $0x108;
	s8 =	sld [smem:$0x3FB6]  }
0x2e: {  	s3 =	simm.s32 @!p0 $0x1082;
	s9 =	sld [smem:$0x3FB7]  }
0x2f: {  	lr =	sadd.s32 s0, s3;
	s0 =	sld [smem:$0x3FAE]  }
0x30: {  	s3 =	sld [smem:$0x3FB1]  }
0x31: {  	[smem:$0x3FBA] =	sst s10  }
0x32: {  	s10 =	sld [smem:$0x3FB8];
	_ =	sdelay $0x3  }
0x33: {  	p0 =	seq.s32 s10, $0x1;
	s10 =	sld [smem:$0x3FBA];
	_ =	sdelay $0x3  }
0x34: {  	[smem:$0x3FBA] =	sst s10  }
0x35: {  	s10 =	sld [smem:$0x3FB9];
	_ =	sdelay $0x3  }
0x36: {  	p1 =	seq.s32 s10, $0x1;
	s10 =	sld [smem:$0x3FBA];
	_ =	sdelay $0x3  }
0x37: {  	[smem:$0x3FBA] =	sst s10  }
0x38: {  	s10 =	sld [smem:$0x3FBB]  }
0x39: {  	_ = 	snop;
	(pc) =	sbr.ind lr, $3  }
0x3a: {  	_ = 	snop  }
0x3b: {  	_ = 	snop  }
0x3c: {  	p2 =	seq.s32 s10, $0x1;
	s10 =	sld [smem:$0x3FBA]  }
0x3d: {  	_ =	shalt  }
0x3e: {  	_ =	shalt  }
0x3f: {  	_ =	shalt  }
0x40: {  	_ =	shalt  }
0x41: {  	_ =	shalt  }
0x42: {  	_ =	shalt  }
0x43: {  	_ =	shalt  }
0x44: {  	_ =	shalt  }
0x45: {  	_ =	shalt  }
0x46: {  	_ =	shalt  }
0x47: {  	_ =	shalt  }
0x48: {  	_ =	shalt  }
0x49: {  	_ =	shalt  }
0x4a: {  	_ =	shalt  }
0x4b: {  	_ =	shalt  }
0x4c: {  	_ =	shalt  }
0x4d: {  	_ =	shalt  }
0x4e: {  	_ =	shalt  }
0x4f: {  	_ =	shalt  }
0x50: {  	_ =	shalt  }
0x51: {  	_ =	shalt  }
0x52: {  	_ =	shalt  }
0x53: {  	_ =	shalt  }
0x54: {  	_ =	shalt  }
0x55: {  	_ =	shalt  }
0x56: {  	_ =	shalt  }
0x57: {  	_ =	shalt  }
0x58: {  	_ =	shalt  }
0x59: {  	_ =	shalt  }
0x5a: {  	_ =	shalt  }
0x5b: {  	_ =	shalt  }
0x5c: {  	_ =	shalt  }
0x5d: {  	_ =	shalt  }
0x5e: {  	_ =	shalt  }
0x5f: {  	_ =	shalt  }
0x60: {  	_ =	shalt  }
0x61: {  	_ =	shalt  }
0x62: {  	_ =	shalt  }
0x63: {  	_ =	shalt  }
0x64: {  	_ =	shalt  }
0x65: {  	_ =	shalt  }
0x66: {  	_ =	shalt  }
0x67: {  	_ =	shalt  }
0x68: {  	_ =	shalt  }
0x69: {  	_ =	shalt  }
0x6a: {  	_ =	shalt  }
0x6b: {  	_ =	shalt  }
0x6c: {  	_ =	shalt  }
0x6d: {  	_ =	shalt  }
0x6e: {  	_ =	shalt  }
0x6f: {  	_ =	shalt  }
0x70: {  	_ =	shalt  }
0x71: {  	_ =	shalt  }
0x72: {  	_ =	shalt  }
0x73: {  	_ =	shalt  }
0x74: {  	_ =	shalt  }
0x75: {  	_ =	shalt  }
0x76: {  	_ =	shalt  }
0x77: {  	_ =	shalt  }
0x78: {  	_ =	shalt  }
0x79: {  	_ =	shalt  }
0x7a: {  	_ =	shalt  }
0x7b: {  	_ =	shalt  }
0x7c: {  	_ =	shalt  }
0x7d: {  	_ =	shalt  }
0x7e: {  	_ =	shalt  }
0x7f: {  	_ =	shalt  }
0x80: {  	_ =	shalt  }
0x81: {  	_ =	shalt  }
0x82: {  	_ =	shalt  }
0x83: {  	_ =	shalt  }
0x84: {  	_ =	shalt  }
0x85: {  	_ =	shalt  }
0x86: {  	_ =	shalt  }
0x87: {  	_ =	shalt  }
.Lfunc_end0:
.L_simem_size_0:
called_computation_lowered:
.L_overlay_start_0:
0x88: {  	s2 =	sld [smem:$0x3FD9]  }
0x89: {  	s3 =	sld [smem:$0x3FFE];
	_ =	sdelay $0x1  }
0x8a: {  	s1 =	srdreg.scid  }
0x8b: {  	s0 =	sand.u32 $0x1, s1  }
0x8c: {  	s17 =	sshll.u32 s0, $0xA;
	s2 =	sadd.s32 s3, s2  }
0x8d: {  	s2 =	sadd.s32 s2, s17  }
0x8e: {  	[smem:$0x3FC6] =	sst s2  }
0x8f: {  	_ = 	snop  }
0x90: {  	s2 =	sld [smem:$0x3FC9]  }
0x91: {  	s18 =	sld [smem:$0x3FD0];
	(tm) =	ssettm $0x1  }
0x92: {  	s4 =	sld [smem:$0x3FFB];
	_ =	sdelay $0x3  }
0x93: {  	_ =	strace s4  }
0x94: {  	s4 =	sld [smem:$0x3FFC];
	_ =	sdelay $0x3  }
0x95: {  	_ =	strace s4  }
0x96: {  	s4 =	sld [smem:$0x3FFD];
	_ =	sdelay $0x3  }
0x97: {  	_ =	strace s4  }
0x98: {  	_ =	strace $0x8FFFFFFF  }
0x99: {  	s19 =	sld [smem:$0x3FDB];
	_ =	sdelay $0x1  }
0x9a: {  	s5 =	simm.s32 $_scs_section_size  }
0x9b: {  	s6 =	simm.s32 $_size__tile_overlayer_lowered;
	s7 =	simm.s32 $_tile_overlayer_lowered  }
0x9c: {  	s22 =	simm.s32 $0x1BFF;
	s21 =	sshll.u32 s7, $0x1;
	s4 =	sadd.s32 s5, s19  }
0x9d: {  	s8 =	simm.s32 $0x0;
	s20 =	sshll.u32 s6, $0x1;
	s6 =	sadd.s32 s21, s4  }
0x9e: {  	[timem:s8], [sflag:s22] =	dma.local [hbm:s6], s20  }
0x9f: {  	_ =	swait.ge [sflag:s22], s20  }
0xa0: {  	s5 =	ssub.s32 $0x0, s20;
	[sflag:s22] =	ssyncset.done $0x0  }
0xa1: {  	[sflag:s22] =	ssyncadd.s32 s5;
	_ =	sdelay $0x1  }
0xa2: {  	s23 =	simm.s32 $0x1B8B  }
0xa3: {  	_ =	swait.ge [sflag:s23], $0x1  }
0xa4: {  	[sflag:s23] =	ssyncset.done $0x0  }
0xa5: {  	s25 =	simm.s32 $0x1B8E;
	s24 =	sld [smem:$0x3FFE];
	[sflag:s23] =	ssyncadd.s32 $0xFFFFFFFF  }
0xa6: {  	s26 =	simm.s32 $execute0_lowered;
	[smem:$0x3FD2] =	sst s25  }
0xa7: {  	s6 =	sshll.u32 s26, $0x1;
	_ =	strace $0x80000046;
	[dreg:$0x1] =	wrdreg $0xFFFFFFFF  }
0xa8: {  	s28 =	simm.s32 $_size_execute0_lowered;
	s4 =	sadd.s32 s4, s6;
	[dreg:$0x0] =	wrdreg $0x0  }
0xa9: {  	s6 =	sshll.u32 s28, $0x1;
	[dreg:$0x2] =	wrdreg s4  }
0xaa: {  	[dreg:$0x3] =	wrdreg s6  }
0xab: {  	[dreg:$0x4] =	wrdreg $0xC0  }
0xac: {  	_ =	task [dreg:s8], $0x5FFFF  }
0xad: {  	[dreg:$0x1] =	wrdreg $0xFFFFFFFF  }
0xae: {  	[dreg:$0x0] =	wrdreg $0x60  }
0xaf: {  	[dreg:$0x2] =	wrdreg s2  }
0xb0: {  	[dreg:$0x3] =	wrdreg s24  }
0xb1: {  	[dreg:$0x4] =	wrdreg s18  }
0xb2: {  	[dreg:$0x5] =	wrdreg $0x9  }
0xb3: {  	_ =	task.clear_ibuf [dreg:s8], $0x6FFFF;
	_ =	strace $0x90000046  }
0xb4: {  	s29 =	simm.s32 $0x9;
	_ =	strace $0x80000048  }
0xb5: {  	_ =	swait.ge [sflag:s29], $0x1  }
0xb6: {  	[sflag:s29] =	ssyncadd.s32 $0xFFFFFFFF  }
0xb7: {  	_ =	strace $0x90000048  }
0xb8: {  	_ =	sfence  }
0xb9: {  	s30 =	sld [smem:$0x0];
	_ =	sdelay $0x2  }
0xba: {  	s31 =	sshll.u32 s1, $0xD;
	s1 =	sshrl.u32 s1, $0x2  }
0xbb: {  	s3 =	sand.u32 $0x4000, s31;
	s1 =	sadd.s32 s1, s30  }
0xbc: {  	s0 =	sor.u32 s3, s0;
	s1 =	sshll.u32 s1, $0x11  }
0xbd: {  	s0 =	sor.u32 s1, s0  }
0xbe: {  	s0 =	sadd.s32 $0x8F2B, s0  }
0xbf: {  	[sflag:s0] =	ssyncadd.remote.s32 $0x1  }
0xc0: {  	_ =	sfence.sel $0xFFFF  }
0xc1: {  	[dreg:$0x0] =	wrdreg $0xFFFFFFFF;
	(pc) =	sbr.abs _section_cstart, $3  }
0xc2: {  	[dreg:$0x1] =	wrdreg $0xFFFFFFFF  }
0xc3: {  	_ =	task.clear_ibuf [dreg:s8], $0x2FFFF;
	_ =	strace $0x9FFFFFFF  }
0xc4: {  	(tm) =	ssettm $0x7FFFFFFF  }
0xc5: {  	_ =	shalt  }
tec
execute0_lowered:
.L_overlay_start_1:
0x0: {  	(tag) =	ssettag $0x1  }
0x1: {  	s6 =	rddreg [dreg:$0x0]  }
0x2: {  	s5 =	rddreg [dreg:$0x1]  }
0x3: {  	s2 =	rddreg [dreg:$0x2]  }
0x4: {  	s0 =	rddreg [dreg:$0x3];
	s4 =	srdreg.scid  }
0x5: {  	s3 =	simm.s32 $0x0;
	s1 =	stileid.u32;
	s10 =	simm.s32 $0x5  }
0x6: {  	s11 =	simm.s32 $0x80;
	s12 =	simm.s32 $0x6400;
	s13 =	simm.s32 $0x8400  }
0x7: {  	s14 =	simm.s32 $0x1;
	s15 =	simm.s32 $0xA400;
	s16 =	simm.s32 $0xC400  }
0x8: {  	s17 =	simm.s32 $0xE400;
	s18 =	simm.s32 $0x2;
	s19 =	simm.s32 $0x12800  }
0x9: {  	v0 =	vlaneseq.u32;
	s20 =	simm.s32 $0x3;
	s21 =	simm.s32 $0x4;
	s22 =	simm.s32 $0x0  }
0xa: {  	s4 =	sand.u32 $0x1, s4;
	s8 =	sshll.u32 s1, $0xB;
	[smem:$0x7FF] =	sst s3;
	v0 =	vmul.u32 $0x88, v0  }
0xb: {  	s5 =	sadd.s32 $0xF42800, s5;
	s7 =	ssub.s32 $0x2, s4;
	s4 =	sshll.u32 s4, $0xA  }
0xc: {  	_ =	strace $0x80000047;
	s9 =	sshrl.u32 s7, $0x1;
	s4 =	sor.u32 s4, s8;
	v1 =	vadd.s32 $0x880, v0  }
0xd: {  	v2 =	vadd.s32 $0x1100, v0;
	v3 =	vadd.s32 $0x1980, v0;
	v4 =	vadd.s32 $0x2200, v0;
	s7 =	ssub.s32 s7, s9;
	s8 =	sshrl.u32 s4, $0x3;
	s9 =	simm.s32 $0x8000  }
0xe: {  	v5 =	vadd.s32 $0x2A80, v0;
	v6 =	vadd.s32 $0x3300, v0;
	v7 =	vadd.s32 $0x3B80, v0;
	s6 =	sadd.s32 s6, s8;
	s7 =	smax.u32 s7, $0x1;
	s8 =	simm.s32 $0x400  }
.LBB2_1:
0xf: {  	[tilespmem:s3], [sflag:$0x5] =	stream.strided.gather [hbm4b:s6+s8], $0x6400, s9, s8, $0x38;
	[tilespmem:$0x16C00] =	vst v63  }
0x10: {  	_ =	swait.ge [sflag:s10], $0x6400  }
0x11: {  	[sflag:s10] =	ssyncset.done $0x0  }
0x12: {  	[sflag:s10] =	ssyncadd.s32 $0xFFFF9C00  }
0x13: {  	[tilespmem:s12], [sflag:$0x1] =	stream.indirect.gather [hbm4b:s5+s11], $0x40, s3, s11, $0xb8;
	[tilespmem:$0x16C00] =	vst v63  }
0x14: {  	s23 =	simm.s32 $0x0  }
0x15: {  	[tilespmem:s13], [sflag:$0x1] =	stream.indirect.gather [hbm4b:s5+s11], $0x40, s11, s11, $0xb8;
	[tilespmem:$0x16C00] =	vst v63  }
.LBB2_2:
0x16: {  	s24 =	sshllo.u32 s23, $0x1  }
0x17: {  	_ =	swait.ge [sflag:s14], $0x4000;
	s26 =	sshll.u32 s23, $0x9;
	s25 =	sshll.u32 s24, $0x8  }
0x18: {  	[sflag:s14] =	ssyncset.done $0x0;
	s26 =	sand.u32 $0x7C00, s26;
	s25 =	sand.u32 $0x300, s25  }
0x19: {  	[sflag:s14] =	ssyncadd.s32 $0xFFFFC000;
	s25 =	sor.u32 s25, s26  }
0x1a: {  	[tilespmem:s15], [sflag:$0x2] =	stream.indirect.gather [hbm4b:s5+s11], $0x40, s25, s11, $0xb8;
	[tilespmem:$0x16C00] =	vst v63  }
0x1b: {  	p0 =	seq.s32 s23, $0x0;
	s25 =	sor.u32 $0x80, s25  }
0x1c: {  	[tilespmem:s16], [sflag:$0x2] =	stream.indirect.gather [hbm4b:s5+s11], $0x40, s25, s11, $0xb8;
	[tilespmem:$0x16C00] =	vst v63  }
0x1d: {  	s25 =	simm.s32 @!p0 $0x3  }
0x1e: {  	_ =	swait.ge @!p0 [sflag:s25], $0x4000  }
0x1f: {  	[sflag:s25] =	ssyncset.done @!p0 $0x0  }
0x20: {  	s31 =	simm.s32 $0x0;
	s26 =	simm.s32 $0x6480;
	[sflag:s25] =	ssyncadd.s32 @!p0 $0xFFFFC000  }
0x21: {  	v8 =	vmov s31;
	v9 =	vld [tilespmem:s26+$0xFFFFFF80]  }
0x22: {  	v8 =	vand.u32 $0x7C, v8  }
0x23: {  	v10 =	vadd.s32 v0, v8;
	_ =	sdelay $0x2  }
0x24: {  	v9 =	vmul.f32 $8.000000000e+00, v9;
	_ =	sdelay $0x1  }
0x25: {  	[tilespmem:v10+s17+$0x0] =	vst.idx.msk $0xffff, v9  }
0x26: {  	v9 =	vld [tilespmem:s26+$0xFFFFFF90];
	_ =	sdelay $0x1  }
0x27: {  	v10 =	vadd.s32 v1, v8;
	_ =	sdelay $0x2  }
0x28: {  	v9 =	vmul.f32 $8.000000000e+00, v9;
	_ =	sdelay $0x1  }
0x29: {  	[tilespmem:v10+s17+$0x0] =	vst.idx.msk $0xffff, v9  }
0x2a: {  	v9 =	vld [tilespmem:s26+$0xFFFFFFA0];
	_ =	sdelay $0x1  }
0x2b: {  	v10 =	vadd.s32 v2, v8;
	_ =	sdelay $0x2  }
0x2c: {  	v9 =	vmul.f32 $8.000000000e+00, v9;
	_ =	sdelay $0x1  }
0x2d: {  	[tilespmem:v10+s17+$0x0] =	vst.idx.msk $0xffff, v9  }
0x2e: {  	v9 =	vld [tilespmem:s26+$0xFFFFFFB0];
	_ =	sdelay $0x1  }
0x2f: {  	v10 =	vadd.s32 v3, v8;
	_ =	sdelay $0x2  }
0x30: {  	v9 =	vmul.f32 $8.000000000e+00, v9;
	_ =	sdelay $0x1  }
0x31: {  	s29 =	simm.s32 $0x1;
	[tilespmem:v10+s17+$0x0] =	vst.idx.msk $0xffff, v9  }
0x32: {  	v9 =	vmov s29;
	v10 =	vld [tilespmem:s26+$0xFFFFFFC0]  }
0x33: {  	v9 =	vand.u32 $0x7D, v9  }
0x34: {  	v11 =	vadd.s32 v0, v9;
	_ =	sdelay $0x2  }
0x35: {  	v10 =	vmul.f32 $8.000000000e+00, v10;
	_ =	sdelay $0x1  }
0x36: {  	[tilespmem:v11+s17+$0x0] =	vst.idx.msk $0xffff, v10  }
0x37: {  	v10 =	vld [tilespmem:s26+$0xFFFFFFD0];
	_ =	sdelay $0x1  }
0x38: {  	v11 =	vadd.s32 v1, v9;
	_ =	sdelay $0x2  }
0x39: {  	v10 =	vmul.f32 $8.000000000e+00, v10;
	_ =	sdelay $0x1  }
0x3a: {  	[tilespmem:v11+s17+$0x0] =	vst.idx.msk $0xffff, v10  }
0x3b: {  	v10 =	vld [tilespmem:s26+$0xFFFFFFE0];
	_ =	sdelay $0x1  }
0x3c: {  	v11 =	vadd.s32 v2, v9;
	_ =	sdelay $0x2  }
0x3d: {  	v10 =	vmul.f32 $8.000000000e+00, v10;
	_ =	sdelay $0x1  }
0x3e: {  	[tilespmem:v11+s17+$0x0] =	vst.idx.msk $0xffff, v10  }
0x3f: {  	v10 =	vld [tilespmem:s26+$0xFFFFFFF0];
	_ =	sdelay $0x1  }
0x40: {  	v11 =	vadd.s32 v3, v9;
	_ =	sdelay $0x2  }
0x41: {  	v10 =	vmul.f32 $8.000000000e+00, v10;
	_ =	sdelay $0x1  }
0x42: {  	s30 =	simm.s32 $0x2;
	[tilespmem:v11+s17+$0x0] =	vst.idx.msk $0xffff, v10  }
0x43: {  	v10 =	vmov s30;
	v11 =	vld [tilespmem:s26+$0x0]  }
0x44: {  	v10 =	vand.u32 $0x7E, v10  }
0x45: {  	v12 =	vadd.s32 v0, v10;
	_ =	sdelay $0x2  }
0x46: {  	v11 =	vmul.f32 $8.000000000e+00, v11;
	_ =	sdelay $0x1  }
0x47: {  	[tilespmem:v12+s17+$0x0] =	vst.idx.msk $0xffff, v11  }
0x48: {  	v11 =	vld [tilespmem:s26+$0x10];
	_ =	sdelay $0x1  }
0x49: {  	v12 =	vadd.s32 v1, v10;
	_ =	sdelay $0x2  }
0x4a: {  	v11 =	vmul.f32 $8.000000000e+00, v11;
	_ =	sdelay $0x1  }
0x4b: {  	[tilespmem:v12+s17+$0x0] =	vst.idx.msk $0xffff, v11  }
0x4c: {  	v11 =	vld [tilespmem:s26+$0x20];
	_ =	sdelay $0x1  }
0x4d: {  	v12 =	vadd.s32 v2, v10;
	_ =	sdelay $0x2  }
0x4e: {  	v11 =	vmul.f32 $8.000000000e+00, v11;
	_ =	sdelay $0x1  }
0x4f: {  	[tilespmem:v12+s17+$0x0] =	vst.idx.msk $0xffff, v11  }
0x50: {  	v11 =	vld [tilespmem:s26+$0x30];
	_ =	sdelay $0x1  }
0x51: {  	v12 =	vadd.s32 v3, v10;
	_ =	sdelay $0x2  }
0x52: {  	v11 =	vmul.f32 $8.000000000e+00, v11;
	_ =	sdelay $0x1  }
0x53: {  	s31 =	simm.s32 $0x3;
	[tilespmem:v12+s17+$0x0] =	vst.idx.msk $0xffff, v11  }
0x54: {  	v11 =	vmov s31;
	v12 =	vld [tilespmem:s26+$0x40]  }
0x55: {  	v11 =	vand.u32 $0x7F, v11  }
0x56: {  	v13 =	vadd.s32 v0, v11;
	_ =	sdelay $0x2  }
0x57: {  	v12 =	vmul.f32 $8.000000000e+00, v12;
	_ =	sdelay $0x1  }
0x58: {  	[tilespmem:v13+s17+$0x0] =	vst.idx.msk $0xffff, v12  }
0x59: {  	v12 =	vld [tilespmem:s26+$0x50];
	_ =	sdelay $0x1  }
0x5a: {  	v13 =	vadd.s32 v1, v11;
	_ =	sdelay $0x2  }
0x5b: {  	v12 =	vmul.f32 $8.000000000e+00, v12;
	_ =	sdelay $0x1  }
0x5c: {  	[tilespmem:v13+s17+$0x0] =	vst.idx.msk $0xffff, v12  }
0x5d: {  	v12 =	vld [tilespmem:s26+$0x60];
	_ =	sdelay $0x1  }
0x5e: {  	v13 =	vadd.s32 v2, v11;
	_ =	sdelay $0x2  }
0x5f: {  	v12 =	vmul.f32 $8.000000000e+00, v12;
	_ =	sdelay $0x1  }
0x60: {  	[tilespmem:v13+s17+$0x0] =	vst.idx.msk $0xffff, v12  }
0x61: {  	v13 =	vld [tilespmem:s26+$0x70];
	_ =	sdelay $0x1  }
0x62: {  	v12 =	vadd.s32 v3, v11;
	_ =	sdelay $0x2  }
0x63: {  	s28 =	simm.s32 $0x4;
	s25 =	simm.s32 $0x84F0;
	v13 =	vmul.f32 $8.000000000e+00, v13  }
.LBB2_3:
0x64: {  	p0 =	slt.u32 s28, $0x7C  }
0x65: {  	[tilespmem:v12+s17+$0x0] =	vst.idx.msk $0xffff, v13;
	s26 =	sadd.s32 $0x100, s26;
	s29 =	smov.u32 s28;
	s28 =	sadd.s32 $0x4, s28  }
0x66: {  	v12 =	vmov s29;
	v13 =	vld [tilespmem:s26+$0xFFFFFF80]  }
0x67: {  	v12 =	vand.u32 $0x7C, v12  }
0x68: {  	v14 =	vadd.s32 v0, v12;
	_ =	sdelay $0x2  }
0x69: {  	v13 =	vmul.f32 $8.000000000e+00, v13;
	_ =	sdelay $0x1  }
0x6a: {  	[tilespmem:v14+s17+$0x0] =	vst.idx.msk $0xffff, v13  }
0x6b: {  	v13 =	vld [tilespmem:s26+$0xFFFFFF90];
	_ =	sdelay $0x1  }
0x6c: {  	v14 =	vadd.s32 v1, v12;
	_ =	sdelay $0x2  }
0x6d: {  	v13 =	vmul.f32 $8.000000000e+00, v13;
	_ =	sdelay $0x1  }
0x6e: {  	[tilespmem:v14+s17+$0x0] =	vst.idx.msk $0xffff, v13  }
0x6f: {  	v13 =	vld [tilespmem:s26+$0xFFFFFFA0];
	_ =	sdelay $0x1  }
0x70: {  	v14 =	vadd.s32 v2, v12;
	_ =	sdelay $0x2  }
0x71: {  	v13 =	vmul.f32 $8.000000000e+00, v13;
	_ =	sdelay $0x1  }
0x72: {  	[tilespmem:v14+s17+$0x0] =	vst.idx.msk $0xffff, v13  }
0x73: {  	v13 =	vld [tilespmem:s26+$0xFFFFFFB0];
	_ =	sdelay $0x1  }
0x74: {  	v12 =	vadd.s32 v3, v12;
	_ =	sdelay $0x2  }
0x75: {  	v13 =	vmul.f32 $8.000000000e+00, v13;
	_ =	sdelay $0x1  }
0x76: {  	s30 =	sadd.s32 $0x1, s29;
	[tilespmem:v12+s17+$0x0] =	vst.idx.msk $0xffff, v13  }
0x77: {  	v12 =	vmov s30;
	v13 =	vld [tilespmem:s26+$0xFFFFFFC0]  }
0x78: {  	v12 =	vand.u32 $0x7D, v12  }
0x79: {  	v14 =	vadd.s32 v0, v12;
	_ =	sdelay $0x2  }
0x7a: {  	v13 =	vmul.f32 $8.000000000e+00, v13;
	_ =	sdelay $0x1  }
0x7b: {  	[tilespmem:v14+s17+$0x0] =	vst.idx.msk $0xffff, v13  }
0x7c: {  	v13 =	vld [tilespmem:s26+$0xFFFFFFD0];
	_ =	sdelay $0x1  }
0x7d: {  	v14 =	vadd.s32 v1, v12;
	_ =	sdelay $0x2  }
0x7e: {  	v13 =	vmul.f32 $8.000000000e+00, v13;
	_ =	sdelay $0x1  }
0x7f: {  	[tilespmem:v14+s17+$0x0] =	vst.idx.msk $0xffff, v13  }
0x80: {  	v13 =	vld [tilespmem:s26+$0xFFFFFFE0];
	_ =	sdelay $0x1  }
0x81: {  	v14 =	vadd.s32 v2, v12;
	_ =	sdelay $0x2  }
0x82: {  	v13 =	vmul.f32 $8.000000000e+00, v13;
	_ =	sdelay $0x1  }
0x83: {  	[tilespmem:v14+s17+$0x0] =	vst.idx.msk $0xffff, v13  }
0x84: {  	v13 =	vld [tilespmem:s26+$0xFFFFFFF0];
	_ =	sdelay $0x1  }
0x85: {  	v12 =	vadd.s32 v3, v12;
	_ =	sdelay $0x2  }
0x86: {  	v13 =	vmul.f32 $8.000000000e+00, v13;
	_ =	sdelay $0x1  }
0x87: {  	s30 =	sadd.s32 $0x2, s29;
	[tilespmem:v12+s17+$0x0] =	vst.idx.msk $0xffff, v13  }
0x88: {  	v12 =	vmov s30;
	v13 =	vld [tilespmem:s26+$0x0]  }
0x89: {  	v12 =	vand.u32 $0x7E, v12  }
0x8a: {  	v14 =	vadd.s32 v0, v12;
	_ =	sdelay $0x2  }
0x8b: {  	v13 =	vmul.f32 $8.000000000e+00, v13;
	_ =	sdelay $0x1  }
0x8c: {  	[tilespmem:v14+s17+$0x0] =	vst.idx.msk $0xffff, v13  }
0x8d: {  	v13 =	vld [tilespmem:s26+$0x10];
	_ =	sdelay $0x1  }
0x8e: {  	v14 =	vadd.s32 v1, v12;
	_ =	sdelay $0x2  }
0x8f: {  	v13 =	vmul.f32 $8.000000000e+00, v13;
	_ =	sdelay $0x1  }
0x90: {  	[tilespmem:v14+s17+$0x0] =	vst.idx.msk $0xffff, v13  }
0x91: {  	v13 =	vld [tilespmem:s26+$0x20];
	_ =	sdelay $0x1  }
0x92: {  	v14 =	vadd.s32 v2, v12;
	_ =	sdelay $0x2  }
0x93: {  	v13 =	vmul.f32 $8.000000000e+00, v13;
	_ =	sdelay $0x1  }
0x94: {  	[tilespmem:v14+s17+$0x0] =	vst.idx.msk $0xffff, v13  }
0x95: {  	v13 =	vld [tilespmem:s26+$0x30];
	_ =	sdelay $0x1  }
0x96: {  	v12 =	vadd.s32 v3, v12;
	_ =	sdelay $0x2  }
0x97: {  	v13 =	vmul.f32 $8.000000000e+00, v13;
	_ =	sdelay $0x1  }
0x98: {  	s29 =	sadd.s32 $0x3, s29;
	[tilespmem:v12+s17+$0x0] =	vst.idx.msk $0xffff, v13  }
0x99: {  	v12 =	vmov s29;
	v13 =	vld [tilespmem:s26+$0x40]  }
0x9a: {  	v12 =	vand.u32 $0x7F, v12  }
0x9b: {  	v14 =	vadd.s32 v0, v12;
	_ =	sdelay $0x2  }
0x9c: {  	v13 =	vmul.f32 $8.000000000e+00, v13;
	_ =	sdelay $0x1  }
0x9d: {  	[tilespmem:v14+s17+$0x0] =	vst.idx.msk $0xffff, v13  }
0x9e: {  	v13 =	vld [tilespmem:s26+$0x50];
	_ =	sdelay $0x1  }
0x9f: {  	v14 =	vadd.s32 v1, v12;
	_ =	sdelay $0x2  }
0xa0: {  	v13 =	vmul.f32 $8.000000000e+00, v13;
	_ =	sdelay $0x1  }
0xa1: {  	[tilespmem:v14+s17+$0x0] =	vst.idx.msk $0xffff, v13  }
0xa2: {  	v13 =	vld [tilespmem:s26+$0x60];
	_ =	sdelay $0x1  }
0xa3: {  	v14 =	vadd.s32 v2, v12;
	_ =	sdelay $0x2  }
0xa4: {  	v13 =	vmul.f32 $8.000000000e+00, v13;
	_ =	sdelay $0x1  }
0xa5: {  	[tilespmem:v14+s17+$0x0] =	vst.idx.msk $0xffff, v13  }
0xa6: {  	v13 =	vld [tilespmem:s26+$0x70];
	_ =	sdelay $0x1  }
.Ltmp0:
0xa7: {  	v12 =	vadd.s32 v3, v12;
	(pc) =	sbr.rel @p0 .LBB2_3-.Ltmp0, $2  }
0xa8: {  	_ =	sdelay $0x1  }
0xa9: {  	v13 =	vmul.f32 $8.000000000e+00, v13;
	_ =	sdelay $0x1  }
0xaa: {  	_ =	sdelay $0x3  }
0xab: {  	[tilespmem:v12+s17+$0x0] =	vst.idx.msk $0xffff, v13  }
0xac: {  	v12 =	vld [tilespmem:s25+$0xFFFFFF10];
	_ =	sdelay $0x1  }
0xad: {  	v58 =	vadd.s32 v4, v8;
	_ =	sdelay $0x2  }
0xae: {  	v12 =	vmul.f32 $8.000000000e+00, v12;
	_ =	sdelay $0x1  }
0xaf: {  	[tilespmem:v58+s17+$0x0] =	vst.idx.msk $0xffff, v12  }
0xb0: {  	v12 =	vld [tilespmem:s25+$0xFFFFFF20];
	_ =	sdelay $0x1  }
0xb1: {  	v59 =	vadd.s32 v5, v8;
	_ =	sdelay $0x2  }
0xb2: {  	v12 =	vmul.f32 $8.000000000e+00, v12;
	_ =	sdelay $0x1  }
0xb3: {  	[tilespmem:v59+s17+$0x0] =	vst.idx.msk $0xffff, v12  }
0xb4: {  	v12 =	vld [tilespmem:s25+$0xFFFFFF30];
	_ =	sdelay $0x1  }
0xb5: {  	v60 =	vadd.s32 v6, v8;
	_ =	sdelay $0x2  }
0xb6: {  	v12 =	vmul.f32 $8.000000000e+00, v12;
	_ =	sdelay $0x1  }
0xb7: {  	[tilespmem:v60+s17+$0x0] =	vst.idx.msk $0xffff, v12  }
0xb8: {  	v12 =	vld [tilespmem:s25+$0xFFFFFF40];
	_ =	sdelay $0x1  }
0xb9: {  	v8 =	vadd.s32 v7, v8;
	_ =	sdelay $0x2  }
0xba: {  	v12 =	vmul.f32 $8.000000000e+00, v12;
	_ =	sdelay $0x1  }
0xbb: {  	[tilespmem:v8+s17+$0x0] =	vst.idx.msk $0xffff, v12  }
0xbc: {  	v8 =	vld [tilespmem:s25+$0xFFFFFF50];
	_ =	sdelay $0x1  }
0xbd: {  	v61 =	vadd.s32 v4, v9;
	_ =	sdelay $0x2  }
0xbe: {  	v8 =	vmul.f32 $8.000000000e+00, v8;
	_ =	sdelay $0x1  }
0xbf: {  	[tilespmem:v61+s17+$0x0] =	vst.idx.msk $0xffff, v8  }
0xc0: {  	v8 =	vld [tilespmem:s25+$0xFFFFFF60];
	_ =	sdelay $0x1  }
0xc1: {  	v62 =	vadd.s32 v5, v9;
	_ =	sdelay $0x2  }
0xc2: {  	v8 =	vmul.f32 $8.000000000e+00, v8;
	_ =	sdelay $0x1  }
0xc3: {  	[tilespmem:v62+s17+$0x0] =	vst.idx.msk $0xffff, v8  }
0xc4: {  	v8 =	vld [tilespmem:s25+$0xFFFFFF70];
	_ =	sdelay $0x1  }
0xc5: {  	v63 =	vadd.s32 v6, v9;
	_ =	sdelay $0x2  }
0xc6: {  	v8 =	vmul.f32 $8.000000000e+00, v8;
	_ =	sdelay $0x1  }
0xc7: {  	[tilespmem:v63+s17+$0x0] =	vst.idx.msk $0xffff, v8  }
0xc8: {  	v8 =	vld [tilespmem:s25+$0xFFFFFF80];
	_ =	sdelay $0x1  }
0xc9: {  	v9 =	vadd.s32 v7, v9;
	_ =	sdelay $0x2  }
0xca: {  	v8 =	vmul.f32 $8.000000000e+00, v8;
	_ =	sdelay $0x1  }
0xcb: {  	[tilespmem:v9+s17+$0x0] =	vst.idx.msk $0xffff, v8  }
0xcc: {  	v8 =	vld [tilespmem:s25+$0xFFFFFF90];
	_ =	sdelay $0x1  }
0xcd: {  	v9 =	vadd.s32 v4, v10;
	_ =	sdelay $0x2  }
0xce: {  	v8 =	vmul.f32 $8.000000000e+00, v8;
	_ =	sdelay $0x1  }
0xcf: {  	[tilespmem:v9+s17+$0x0] =	vst.idx.msk $0xffff, v8  }
0xd0: {  	v8 =	vld [tilespmem:s25+$0xFFFFFFA0];
	_ =	sdelay $0x1  }
0xd1: {  	v9 =	vadd.s32 v5, v10;
	_ =	sdelay $0x2  }
0xd2: {  	v8 =	vmul.f32 $8.000000000e+00, v8;
	_ =	sdelay $0x1  }
0xd3: {  	[tilespmem:v9+s17+$0x0] =	vst.idx.msk $0xffff, v8  }
0xd4: {  	v8 =	vld [tilespmem:s25+$0xFFFFFFB0];
	_ =	sdelay $0x1  }
0xd5: {  	v9 =	vadd.s32 v6, v10;
	_ =	sdelay $0x2  }
0xd6: {  	v8 =	vmul.f32 $8.000000000e+00, v8;
	_ =	sdelay $0x1  }
0xd7: {  	[tilespmem:v9+s17+$0x0] =	vst.idx.msk $0xffff, v8  }
0xd8: {  	v8 =	vld [tilespmem:s25+$0xFFFFFFC0];
	_ =	sdelay $0x1  }
0xd9: {  	v9 =	vadd.s32 v7, v10;
	_ =	sdelay $0x2  }
0xda: {  	v8 =	vmul.f32 $8.000000000e+00, v8;
	_ =	sdelay $0x1  }
0xdb: {  	[tilespmem:v9+s17+$0x0] =	vst.idx.msk $0xffff, v8  }
0xdc: {  	v8 =	vld [tilespmem:s25+$0xFFFFFFD0];
	_ =	sdelay $0x1  }
0xdd: {  	v9 =	vadd.s32 v4, v11;
	_ =	sdelay $0x2  }
0xde: {  	v8 =	vmul.f32 $8.000000000e+00, v8;
	_ =	sdelay $0x1  }
0xdf: {  	[tilespmem:v9+s17+$0x0] =	vst.idx.msk $0xffff, v8  }
0xe0: {  	v8 =	vld [tilespmem:s25+$0xFFFFFFE0];
	_ =	sdelay $0x1  }
0xe1: {  	v9 =	vadd.s32 v5, v11;
	_ =	sdelay $0x2  }
0xe2: {  	v8 =	vmul.f32 $8.000000000e+00, v8;
	_ =	sdelay $0x1  }
0xe3: {  	[tilespmem:v9+s17+$0x0] =	vst.idx.msk $0xffff, v8  }
0xe4: {  	v8 =	vld [tilespmem:s25+$0xFFFFFFF0];
	_ =	sdelay $0x1  }
0xe5: {  	v9 =	vadd.s32 v6, v11;
	_ =	sdelay $0x2  }
0xe6: {  	v8 =	vmul.f32 $8.000000000e+00, v8;
	_ =	sdelay $0x1  }
0xe7: {  	[tilespmem:v9+s17+$0x0] =	vst.idx.msk $0xffff, v8  }
0xe8: {  	v9 =	vld [tilespmem:s25+$0x0];
	_ =	sdelay $0x1  }
0xe9: {  	v8 =	vadd.s32 v7, v11;
	_ =	sdelay $0x2  }
0xea: {  	s26 =	simm.s32 $0x4;
	v9 =	vmul.f32 $8.000000000e+00, v9  }
.LBB2_5:
0xeb: {  	p0 =	slt.u32 s26, $0x7C  }
0xec: {  	s25 =	sadd.s32 $0x100, s25;
	s28 =	smov.u32 s26;
	s26 =	sadd.s32 $0x4, s26;
	[tilespmem:v8+s17+$0x0] =	vst.idx.msk $0xffff, v9  }
0xed: {  	v8 =	vmov s28;
	v9 =	vld [tilespmem:s25+$0xFFFFFF10]  }
0xee: {  	v8 =	vand.u32 $0x7C, v8  }
0xef: {  	v10 =	vadd.s32 v4, v8;
	_ =	sdelay $0x2  }
0xf0: {  	v9 =	vmul.f32 $8.000000000e+00, v9;
	_ =	sdelay $0x1  }
0xf1: {  	[tilespmem:v10+s17+$0x0] =	vst.idx.msk $0xffff, v9  }
0xf2: {  	v9 =	vld [tilespmem:s25+$0xFFFFFF20];
	_ =	sdelay $0x1  }
0xf3: {  	v10 =	vadd.s32 v5, v8;
	_ =	sdelay $0x2  }
0xf4: {  	v9 =	vmul.f32 $8.000000000e+00, v9;
	_ =	sdelay $0x1  }
0xf5: {  	[tilespmem:v10+s17+$0x0] =	vst.idx.msk $0xffff, v9  }
0xf6: {  	v9 =	vld [tilespmem:s25+$0xFFFFFF30];
	_ =	sdelay $0x1  }
0xf7: {  	v10 =	vadd.s32 v6, v8;
	_ =	sdelay $0x2  }
0xf8: {  	v9 =	vmul.f32 $8.000000000e+00, v9;
	_ =	sdelay $0x1  }
0xf9: {  	[tilespmem:v10+s17+$0x0] =	vst.idx.msk $0xffff, v9  }
0xfa: {  	v9 =	vld [tilespmem:s25+$0xFFFFFF40];
	_ =	sdelay $0x1  }
0xfb: {  	v8 =	vadd.s32 v7, v8;
	_ =	sdelay $0x2  }
0xfc: {  	v9 =	vmul.f32 $8.000000000e+00, v9;
	_ =	sdelay $0x1  }
0xfd: {  	s29 =	sadd.s32 $0x1, s28;
	[tilespmem:v8+s17+$0x0] =	vst.idx.msk $0xffff, v9  }
0xfe: {  	v8 =	vmov s29;
	v9 =	vld [tilespmem:s25+$0xFFFFFF50]  }
0xff: {  	v8 =	vand.u32 $0x7D, v8  }
0x100: {  	v10 =	vadd.s32 v4, v8;
	_ =	sdelay $0x2  }
0x101: {  	v9 =	vmul.f32 $8.000000000e+00, v9;
	_ =	sdelay $0x1  }
0x102: {  	[tilespmem:v10+s17+$0x0] =	vst.idx.msk $0xffff, v9  }
0x103: {  	v9 =	vld [tilespmem:s25+$0xFFFFFF60];
	_ =	sdelay $0x1  }
0x104: {  	v10 =	vadd.s32 v5, v8;
	_ =	sdelay $0x2  }
0x105: {  	v9 =	vmul.f32 $8.000000000e+00, v9;
	_ =	sdelay $0x1  }
0x106: {  	[tilespmem:v10+s17+$0x0] =	vst.idx.msk $0xffff, v9  }
0x107: {  	v9 =	vld [tilespmem:s25+$0xFFFFFF70];
	_ =	sdelay $0x1  }
0x108: {  	v10 =	vadd.s32 v6, v8;
	_ =	sdelay $0x2  }
0x109: {  	v9 =	vmul.f32 $8.000000000e+00, v9;
	_ =	sdelay $0x1  }
0x10a: {  	[tilespmem:v10+s17+$0x0] =	vst.idx.msk $0xffff, v9  }
0x10b: {  	v9 =	vld [tilespmem:s25+$0xFFFFFF80];
	_ =	sdelay $0x1  }
0x10c: {  	v8 =	vadd.s32 v7, v8;
	_ =	sdelay $0x2  }
0x10d: {  	v9 =	vmul.f32 $8.000000000e+00, v9;
	_ =	sdelay $0x1  }
0x10e: {  	s29 =	sadd.s32 $0x2, s28;
	[tilespmem:v8+s17+$0x0] =	vst.idx.msk $0xffff, v9  }
0x10f: {  	v8 =	vmov s29;
	v9 =	vld [tilespmem:s25+$0xFFFFFF90]  }
0x110: {  	v8 =	vand.u32 $0x7E, v8  }
0x111: {  	v10 =	vadd.s32 v4, v8;
	_ =	sdelay $0x2  }
0x112: {  	v9 =	vmul.f32 $8.000000000e+00, v9;
	_ =	sdelay $0x1  }
0x113: {  	[tilespmem:v10+s17+$0x0] =	vst.idx.msk $0xffff, v9  }
0x114: {  	v9 =	vld [tilespmem:s25+$0xFFFFFFA0];
	_ =	sdelay $0x1  }
0x115: {  	v10 =	vadd.s32 v5, v8;
	_ =	sdelay $0x2  }
0x116: {  	v9 =	vmul.f32 $8.000000000e+00, v9;
	_ =	sdelay $0x1  }
0x117: {  	[tilespmem:v10+s17+$0x0] =	vst.idx.msk $0xffff, v9  }
0x118: {  	v9 =	vld [tilespmem:s25+$0xFFFFFFB0];
	_ =	sdelay $0x1  }
0x119: {  	v10 =	vadd.s32 v6, v8;
	_ =	sdelay $0x2  }
0x11a: {  	v9 =	vmul.f32 $8.000000000e+00, v9;
	_ =	sdelay $0x1  }
0x11b: {  	[tilespmem:v10+s17+$0x0] =	vst.idx.msk $0xffff, v9  }
0x11c: {  	v9 =	vld [tilespmem:s25+$0xFFFFFFC0];
	_ =	sdelay $0x1  }
0x11d: {  	v8 =	vadd.s32 v7, v8;
	_ =	sdelay $0x2  }
0x11e: {  	v9 =	vmul.f32 $8.000000000e+00, v9;
	_ =	sdelay $0x1  }
0x11f: {  	s28 =	sadd.s32 $0x3, s28;
	[tilespmem:v8+s17+$0x0] =	vst.idx.msk $0xffff, v9  }
0x120: {  	v8 =	vmov s28;
	v9 =	vld [tilespmem:s25+$0xFFFFFFD0]  }
0x121: {  	v8 =	vand.u32 $0x7F, v8  }
0x122: {  	v10 =	vadd.s32 v4, v8;
	_ =	sdelay $0x2  }
0x123: {  	v9 =	vmul.f32 $8.000000000e+00, v9;
	_ =	sdelay $0x1  }
0x124: {  	[tilespmem:v10+s17+$0x0] =	vst.idx.msk $0xffff, v9  }
0x125: {  	v9 =	vld [tilespmem:s25+$0xFFFFFFE0];
	_ =	sdelay $0x1  }
0x126: {  	v10 =	vadd.s32 v5, v8;
	_ =	sdelay $0x2  }
0x127: {  	v9 =	vmul.f32 $8.000000000e+00, v9;
	_ =	sdelay $0x1  }
0x128: {  	[tilespmem:v10+s17+$0x0] =	vst.idx.msk $0xffff, v9  }
0x129: {  	v9 =	vld [tilespmem:s25+$0xFFFFFFF0];
	_ =	sdelay $0x1  }
0x12a: {  	v10 =	vadd.s32 v6, v8;
	_ =	sdelay $0x2  }
0x12b: {  	v9 =	vmul.f32 $8.000000000e+00, v9;
	_ =	sdelay $0x1  }
0x12c: {  	[tilespmem:v10+s17+$0x0] =	vst.idx.msk $0xffff, v9  }
0x12d: {  	v9 =	vld [tilespmem:s25+$0x0]  }
.Ltmp1:
0x12e: {  	(pc) =	sbr.rel @p0 .LBB2_5-.Ltmp1, $2  }
0x12f: {  	v8 =	vadd.s32 v7, v8;
	_ =	sdelay $0x2  }
0x130: {  	v9 =	vmul.f32 $8.000000000e+00, v9  }
0x131: {  	_ = 	snop  }
0x132: {  	s25 =	sshll.u32 s23, $0x14  }
0x133: {  	s25 =	sor.u32 s4, s25  }
0x134: {  	s25 =	sshrl.u32 s25, $0x3  }
0x135: {  	s31 =	simm.s32 $0xE400;
	[tilespmem:v8+s17+$0x0] =	vst.idx.msk $0xffff, v9;
	s26 =	sadd.s32 s2, s25  }
0x136: {  	[hbm4b:s26+s3] =	stream.linear.scatter [tilespmem:s31], [sflag:$0x3], $0x80, $0x38;
	[tilespmem:$0x16C00] =	vst v63  }
0x137: {  	s31 =	simm.s32 $0xE488;
	s28 =	sadd.s32 $0x10, s26  }
0x138: {  	[hbm4b:s28+s3] =	stream.linear.scatter [tilespmem:s31], [sflag:$0x3], $0x80, $0x38;
	[tilespmem:$0x16C00] =	vst v63  }
0x139: {  	s31 =	simm.s32 $0xE510;
	s28 =	sadd.s32 $0x20, s26  }
0x13a: {  	[hbm4b:s28+s3] =	stream.linear.scatter [tilespmem:s31], [sflag:$0x3], $0x80, $0x38;
	[tilespmem:$0x16C00] =	vst v63  }
0x13b: {  	s31 =	simm.s32 $0xE598;
	s28 =	sadd.s32 $0x30, s26  }
0x13c: {  	[hbm4b:s28+s3] =	stream.linear.scatter [tilespmem:s31], [sflag:$0x3], $0x80, $0x38;
	[tilespmem:$0x16C00] =	vst v63  }
0x13d: {  	s31 =	simm.s32 $0xE620;
	s28 =	sadd.s32 $0x40, s26  }
0x13e: {  	[hbm4b:s28+s3] =	stream.linear.scatter [tilespmem:s31], [sflag:$0x3], $0x80, $0x38;
	[tilespmem:$0x16C00] =	vst v63  }
0x13f: {  	s29 =	simm.s32 $0xE7B8;
	s31 =	simm.s32 $0xE6A8;
	s28 =	sadd.s32 $0x50, s26  }
0x140: {  	[hbm4b:s28+s3] =	stream.linear.scatter [tilespmem:s31], [sflag:$0x3], $0x80, $0x38;
	[tilespmem:$0x16C00] =	vst v63  }
0x141: {  	s25 =	simm.s32 $0x440;
	s31 =	simm.s32 $0xE730;
	s28 =	sadd.s32 $0x60, s26  }
0x142: {  	[hbm4b:s28+s3] =	stream.linear.scatter [tilespmem:s31], [sflag:$0x3], $0x80, $0x38;
	[tilespmem:$0x16C00] =	vst v63  }
0x143: {  	s30 =	sadd.s32 $0x70, s26;
	s26 =	sadd.s32 $0x1000, s26;
	s28 =	simm.s32 $0x2200  }
.LBB2_7:
0x144: {  	[hbm4b:s30+s3] =	stream.linear.scatter [tilespmem:s29], [sflag:$0x3], $0x80, $0x38;
	[tilespmem:$0x16C00] =	vst v63  }
0x145: {  	s29 =	smov.u32 s25;
	s25 =	smov.u32 s28  }
0x146: {  	s31 =	sadd.s32 $0x1100, s28;
	s25 =	sshra.s32 s25, $0x2;
	s30 =	sadd.s32 $0xE400, s29  }
0x147: {  	[hbm4b:s26+s3] =	stream.linear.scatter [tilespmem:s30], [sflag:$0x3], $0x80, $0x38;
	[tilespmem:$0x16C00] =	vst v63  }
0x148: {  	p0 =	sne.s32 s28, $0xFF00;
	s28 =	sadd.s32 $0xE488, s29;
	s30 =	sadd.s32 $0x10, s26  }
0x149: {  	[hbm4b:s30+s3] =	stream.linear.scatter [tilespmem:s28], [sflag:$0x3], $0x80, $0x38;
	[tilespmem:$0x16C00] =	vst v63  }
0x14a: {  	s28 =	sadd.s32 $0xE510, s29;
	s30 =	sadd.s32 $0x20, s26  }
0x14b: {  	[hbm4b:s30+s3] =	stream.linear.scatter [tilespmem:s28], [sflag:$0x3], $0x80, $0x38;
	[tilespmem:$0x16C00] =	vst v63  }
0x14c: {  	s28 =	sadd.s32 $0xE598, s29;
	s30 =	sadd.s32 $0x30, s26  }
0x14d: {  	[hbm4b:s30+s3] =	stream.linear.scatter [tilespmem:s28], [sflag:$0x3], $0x80, $0x38;
	[tilespmem:$0x16C00] =	vst v63  }
0x14e: {  	s28 =	sadd.s32 $0xE620, s29;
	s30 =	sadd.s32 $0x40, s26  }
0x14f: {  	[hbm4b:s30+s3] =	stream.linear.scatter [tilespmem:s28], [sflag:$0x3], $0x80, $0x38;
	[tilespmem:$0x16C00] =	vst v63  }
.Ltmp2:
0x150: {  	s28 =	sadd.s32 $0xE6A8, s29;
	s30 =	sadd.s32 $0x50, s26;
	(pc) =	sbr.rel @p0 .LBB2_7-.Ltmp2, $4  }
0x151: {  	[hbm4b:s30+s3] =	stream.linear.scatter [tilespmem:s28], [sflag:$0x3], $0x80, $0x38;
	[tilespmem:$0x16C00] =	vst v63  }
0x152: {  	s28 =	sadd.s32 $0xE730, s29;
	s30 =	sadd.s32 $0x60, s26;
	s29 =	sadd.s32 $0xE7B8, s29  }
0x153: {  	[hbm4b:s30+s3] =	stream.linear.scatter [tilespmem:s28], [sflag:$0x3], $0x80, $0x38;
	[tilespmem:$0x16C00] =	vst v63  }
0x154: {  	s30 =	sadd.s32 $0x70, s26;
	s26 =	sadd.s32 $0x1000, s26;
	s28 =	smov.u32 s31  }
0x155: {  	[hbm4b:s30+s3] =	stream.linear.scatter [tilespmem:s29], [sflag:$0x3], $0x80, $0x38;
	[tilespmem:$0x16C00] =	vst v63  }
0x156: {  	s28 =	sadd.s32 $0xE400, s25  }
0x157: {  	[hbm4b:s26+s3] =	stream.linear.scatter [tilespmem:s28], [sflag:$0x3], $0x80, $0x38;
	[tilespmem:$0x16C00] =	vst v63  }
0x158: {  	s30 =	sadd.s32 $0x10, s26;
	s28 =	sadd.s32 $0xE488, s25  }
0x159: {  	[hbm4b:s30+s3] =	stream.linear.scatter [tilespmem:s28], [sflag:$0x3], $0x80, $0x38;
	[tilespmem:$0x16C00] =	vst v63  }
0x15a: {  	s31 =	sadd.s32 $0x20, s26;
	s28 =	sadd.s32 $0xE510, s25  }
0x15b: {  	[hbm4b:s31+s3] =	stream.linear.scatter [tilespmem:s28], [sflag:$0x3], $0x80, $0x38;
	[tilespmem:$0x16C00] =	vst v63  }
0x15c: {  	s30 =	sadd.s32 $0x30, s26;
	s28 =	sadd.s32 $0xE598, s25  }
0x15d: {  	[hbm4b:s30+s3] =	stream.linear.scatter [tilespmem:s28], [sflag:$0x3], $0x80, $0x38;
	[tilespmem:$0x16C00] =	vst v63  }
0x15e: {  	s31 =	sadd.s32 $0x40, s26;
	s28 =	sadd.s32 $0xE620, s25  }
0x15f: {  	[hbm4b:s31+s3] =	stream.linear.scatter [tilespmem:s28], [sflag:$0x3], $0x80, $0x38;
	[tilespmem:$0x16C00] =	vst v63  }
0x160: {  	s30 =	sadd.s32 $0x50, s26;
	s28 =	sadd.s32 $0xE6A8, s25  }
0x161: {  	[hbm4b:s30+s3] =	stream.linear.scatter [tilespmem:s28], [sflag:$0x3], $0x80, $0x38;
	[tilespmem:$0x16C00] =	vst v63  }
0x162: {  	s31 =	sadd.s32 $0x60, s26;
	s28 =	sadd.s32 $0xE730, s25  }
0x163: {  	[hbm4b:s31+s3] =	stream.linear.scatter [tilespmem:s28], [sflag:$0x3], $0x80, $0x38;
	[tilespmem:$0x16C00] =	vst v63  }
0x164: {  	s29 =	sadd.s32 $0xE7B8, s25;
	p0 =	seq.s32 s23, $0x31;
	s30 =	sadd.s32 $0x70, s26  }
0x165: {  	[hbm4b:s30+s3] =	stream.linear.scatter [tilespmem:s29], [sflag:$0x3], $0x80, $0x38;
	[tilespmem:$0x16C00] =	vst v63  }
0x166: {  	s25 =	sshll.u32 @!p0 s23, $0x9;
	_ =	swait.ge [sflag:s18], $0x4000  }
0x167: {  	s26 =	simm.s32 @!p0 $0x80;
	s25 =	sadd.s32 @!p0 $0x200, s25;
	[sflag:s18] =	ssyncset.done $0x0  }
0x168: {  	s25 =	sand.u32 @!p0 $0xFE00, s25;
	s28 =	simm.s32 @!p0 $0x6400;
	[sflag:s18] =	ssyncadd.s32 $0xFFFFC000  }
0x169: {  	[tilespmem:s28], [sflag:$0x1] =	stream.indirect.gather @!p0 [hbm4b:s5+s26], $0x40, s25, s26, $0xb8;
	[tilespmem:$0x16C00] =	vst v63  }
0x16a: {  	p1 =	seq.s32 @!p0 s23, $0x0;
	s25 =	sor.u32 @!p0 $0x80, s25;
	s28 =	simm.s32 @!p0 $0x8400  }
0x16b: {  	[tilespmem:s28], [sflag:$0x1] =	stream.indirect.gather @!p0 [hbm4b:s5+s26], $0x40, s25, s26, $0xb8;
	[tilespmem:$0x16C00] =	vst v63  }
0x16c: {  	p0 =	por p0, !p1  }
0x16d: {  	_ =	swait.ge @p0 [sflag:s21], $0x4000  }
0x16e: {  	[sflag:s21] =	ssyncset.done @p0 $0x0  }
0x16f: {  	s31 =	simm.s32 $0x0;
	s26 =	simm.s32 $0xA480;
	[sflag:s21] =	ssyncadd.s32 @p0 $0xFFFFC000  }
0x170: {  	v8 =	vmov s31;
	v9 =	vld [tilespmem:s26+$0xFFFFFF80]  }
0x171: {  	v8 =	vand.u32 $0x7C, v8  }
0x172: {  	v10 =	vadd.s32 v0, v8;
	_ =	sdelay $0x2  }
0x173: {  	v9 =	vmul.f32 $8.000000000e+00, v9;
	_ =	sdelay $0x1  }
0x174: {  	[tilespmem:v10+s19+$0x0] =	vst.idx.msk $0xffff, v9  }
0x175: {  	v9 =	vld [tilespmem:s26+$0xFFFFFF90];
	_ =	sdelay $0x1  }
0x176: {  	v10 =	vadd.s32 v1, v8;
	_ =	sdelay $0x2  }
0x177: {  	v9 =	vmul.f32 $8.000000000e+00, v9;
	_ =	sdelay $0x1  }
0x178: {  	[tilespmem:v10+s19+$0x0] =	vst.idx.msk $0xffff, v9  }
0x179: {  	v9 =	vld [tilespmem:s26+$0xFFFFFFA0];
	_ =	sdelay $0x1  }
0x17a: {  	v10 =	vadd.s32 v2, v8;
	_ =	sdelay $0x2  }
0x17b: {  	v9 =	vmul.f32 $8.000000000e+00, v9;
	_ =	sdelay $0x1  }
0x17c: {  	[tilespmem:v10+s19+$0x0] =	vst.idx.msk $0xffff, v9  }
0x17d: {  	v9 =	vld [tilespmem:s26+$0xFFFFFFB0];
	_ =	sdelay $0x1  }
0x17e: {  	v10 =	vadd.s32 v3, v8;
	_ =	sdelay $0x2  }
0x17f: {  	v9 =	vmul.f32 $8.000000000e+00, v9;
	_ =	sdelay $0x1  }
0x180: {  	s29 =	simm.s32 $0x1;
	[tilespmem:v10+s19+$0x0] =	vst.idx.msk $0xffff, v9  }
0x181: {  	v9 =	vmov s29;
	v10 =	vld [tilespmem:s26+$0xFFFFFFC0]  }
0x182: {  	v9 =	vand.u32 $0x7D, v9  }
0x183: {  	v11 =	vadd.s32 v0, v9;
	_ =	sdelay $0x2  }
0x184: {  	v10 =	vmul.f32 $8.000000000e+00, v10;
	_ =	sdelay $0x1  }
0x185: {  	[tilespmem:v11+s19+$0x0] =	vst.idx.msk $0xffff, v10  }
0x186: {  	v10 =	vld [tilespmem:s26+$0xFFFFFFD0];
	_ =	sdelay $0x1  }
0x187: {  	v11 =	vadd.s32 v1, v9;
	_ =	sdelay $0x2  }
0x188: {  	v10 =	vmul.f32 $8.000000000e+00, v10;
	_ =	sdelay $0x1  }
0x189: {  	[tilespmem:v11+s19+$0x0] =	vst.idx.msk $0xffff, v10  }
0x18a: {  	v10 =	vld [tilespmem:s26+$0xFFFFFFE0];
	_ =	sdelay $0x1  }
0x18b: {  	v11 =	vadd.s32 v2, v9;
	_ =	sdelay $0x2  }
0x18c: {  	v10 =	vmul.f32 $8.000000000e+00, v10;
	_ =	sdelay $0x1  }
0x18d: {  	[tilespmem:v11+s19+$0x0] =	vst.idx.msk $0xffff, v10  }
0x18e: {  	v10 =	vld [tilespmem:s26+$0xFFFFFFF0];
	_ =	sdelay $0x1  }
0x18f: {  	v11 =	vadd.s32 v3, v9;
	_ =	sdelay $0x2  }
0x190: {  	v10 =	vmul.f32 $8.000000000e+00, v10;
	_ =	sdelay $0x1  }
0x191: {  	s30 =	simm.s32 $0x2;
	[tilespmem:v11+s19+$0x0] =	vst.idx.msk $0xffff, v10  }
0x192: {  	v10 =	vmov s30;
	v11 =	vld [tilespmem:s26+$0x0]  }
0x193: {  	v10 =	vand.u32 $0x7E, v10  }
0x194: {  	v12 =	vadd.s32 v0, v10;
	_ =	sdelay $0x2  }
0x195: {  	v11 =	vmul.f32 $8.000000000e+00, v11;
	_ =	sdelay $0x1  }
0x196: {  	[tilespmem:v12+s19+$0x0] =	vst.idx.msk $0xffff, v11  }
0x197: {  	v11 =	vld [tilespmem:s26+$0x10];
	_ =	sdelay $0x1  }
0x198: {  	v12 =	vadd.s32 v1, v10;
	_ =	sdelay $0x2  }
0x199: {  	v11 =	vmul.f32 $8.000000000e+00, v11;
	_ =	sdelay $0x1  }
0x19a: {  	[tilespmem:v12+s19+$0x0] =	vst.idx.msk $0xffff, v11  }
0x19b: {  	v11 =	vld [tilespmem:s26+$0x20];
	_ =	sdelay $0x1  }
0x19c: {  	v12 =	vadd.s32 v2, v10;
	_ =	sdelay $0x2  }
0x19d: {  	v11 =	vmul.f32 $8.000000000e+00, v11;
	_ =	sdelay $0x1  }
0x19e: {  	[tilespmem:v12+s19+$0x0] =	vst.idx.msk $0xffff, v11  }
0x19f: {  	v11 =	vld [tilespmem:s26+$0x30];
	_ =	sdelay $0x1  }
0x1a0: {  	v12 =	vadd.s32 v3, v10;
	_ =	sdelay $0x2  }
0x1a1: {  	v11 =	vmul.f32 $8.000000000e+00, v11;
	_ =	sdelay $0x1  }
0x1a2: {  	s31 =	simm.s32 $0x3;
	[tilespmem:v12+s19+$0x0] =	vst.idx.msk $0xffff, v11  }
0x1a3: {  	v11 =	vmov s31;
	v12 =	vld [tilespmem:s26+$0x40]  }
0x1a4: {  	v11 =	vand.u32 $0x7F, v11  }
0x1a5: {  	v13 =	vadd.s32 v0, v11;
	_ =	sdelay $0x2  }
0x1a6: {  	v12 =	vmul.f32 $8.000000000e+00, v12;
	_ =	sdelay $0x1  }
0x1a7: {  	[tilespmem:v13+s19+$0x0] =	vst.idx.msk $0xffff, v12  }
0x1a8: {  	v12 =	vld [tilespmem:s26+$0x50];
	_ =	sdelay $0x1  }
0x1a9: {  	v13 =	vadd.s32 v1, v11;
	_ =	sdelay $0x2  }
0x1aa: {  	v12 =	vmul.f32 $8.000000000e+00, v12;
	_ =	sdelay $0x1  }
0x1ab: {  	[tilespmem:v13+s19+$0x0] =	vst.idx.msk $0xffff, v12  }
0x1ac: {  	v12 =	vld [tilespmem:s26+$0x60];
	_ =	sdelay $0x1  }
0x1ad: {  	v13 =	vadd.s32 v2, v11;
	_ =	sdelay $0x2  }
0x1ae: {  	v12 =	vmul.f32 $8.000000000e+00, v12;
	_ =	sdelay $0x1  }
0x1af: {  	[tilespmem:v13+s19+$0x0] =	vst.idx.msk $0xffff, v12  }
0x1b0: {  	v13 =	vld [tilespmem:s26+$0x70];
	_ =	sdelay $0x1  }
0x1b1: {  	v12 =	vadd.s32 v3, v11;
	_ =	sdelay $0x2  }
0x1b2: {  	s28 =	simm.s32 $0x4;
	s25 =	simm.s32 $0xC4F0;
	v13 =	vmul.f32 $8.000000000e+00, v13  }
.LBB2_9:
0x1b3: {  	p0 =	slt.u32 s28, $0x7C  }
0x1b4: {  	[tilespmem:v12+s19+$0x0] =	vst.idx.msk $0xffff, v13;
	s26 =	sadd.s32 $0x100, s26;
	s29 =	smov.u32 s28;
	s28 =	sadd.s32 $0x4, s28  }
0x1b5: {  	v12 =	vmov s29;
	v13 =	vld [tilespmem:s26+$0xFFFFFF80]  }
0x1b6: {  	v12 =	vand.u32 $0x7C, v12  }
0x1b7: {  	v14 =	vadd.s32 v0, v12;
	_ =	sdelay $0x2  }
0x1b8: {  	v13 =	vmul.f32 $8.000000000e+00, v13;
	_ =	sdelay $0x1  }
0x1b9: {  	[tilespmem:v14+s19+$0x0] =	vst.idx.msk $0xffff, v13  }
0x1ba: {  	v13 =	vld [tilespmem:s26+$0xFFFFFF90];
	_ =	sdelay $0x1  }
0x1bb: {  	v14 =	vadd.s32 v1, v12;
	_ =	sdelay $0x2  }
0x1bc: {  	v13 =	vmul.f32 $8.000000000e+00, v13;
	_ =	sdelay $0x1  }
0x1bd: {  	[tilespmem:v14+s19+$0x0] =	vst.idx.msk $0xffff, v13  }
0x1be: {  	v13 =	vld [tilespmem:s26+$0xFFFFFFA0];
	_ =	sdelay $0x1  }
0x1bf: {  	v14 =	vadd.s32 v2, v12;
	_ =	sdelay $0x2  }
0x1c0: {  	v13 =	vmul.f32 $8.000000000e+00, v13;
	_ =	sdelay $0x1  }
0x1c1: {  	[tilespmem:v14+s19+$0x0] =	vst.idx.msk $0xffff, v13  }
0x1c2: {  	v13 =	vld [tilespmem:s26+$0xFFFFFFB0];
	_ =	sdelay $0x1  }
0x1c3: {  	v12 =	vadd.s32 v3, v12;
	_ =	sdelay $0x2  }
0x1c4: {  	v13 =	vmul.f32 $8.000000000e+00, v13;
	_ =	sdelay $0x1  }
0x1c5: {  	s30 =	sadd.s32 $0x1, s29;
	[tilespmem:v12+s19+$0x0] =	vst.idx.msk $0xffff, v13  }
0x1c6: {  	v12 =	vmov s30;
	v13 =	vld [tilespmem:s26+$0xFFFFFFC0]  }
0x1c7: {  	v12 =	vand.u32 $0x7D, v12  }
0x1c8: {  	v14 =	vadd.s32 v0, v12;
	_ =	sdelay $0x2  }
0x1c9: {  	v13 =	vmul.f32 $8.000000000e+00, v13;
	_ =	sdelay $0x1  }
0x1ca: {  	[tilespmem:v14+s19+$0x0] =	vst.idx.msk $0xffff, v13  }
0x1cb: {  	v13 =	vld [tilespmem:s26+$0xFFFFFFD0];
	_ =	sdelay $0x1  }
0x1cc: {  	v14 =	vadd.s32 v1, v12;
	_ =	sdelay $0x2  }
0x1cd: {  	v13 =	vmul.f32 $8.000000000e+00, v13;
	_ =	sdelay $0x1  }
0x1ce: {  	[tilespmem:v14+s19+$0x0] =	vst.idx.msk $0xffff, v13  }
0x1cf: {  	v13 =	vld [tilespmem:s26+$0xFFFFFFE0];
	_ =	sdelay $0x1  }
0x1d0: {  	v14 =	vadd.s32 v2, v12;
	_ =	sdelay $0x2  }
0x1d1: {  	v13 =	vmul.f32 $8.000000000e+00, v13;
	_ =	sdelay $0x1  }
0x1d2: {  	[tilespmem:v14+s19+$0x0] =	vst.idx.msk $0xffff, v13  }
0x1d3: {  	v13 =	vld [tilespmem:s26+$0xFFFFFFF0];
	_ =	sdelay $0x1  }
0x1d4: {  	v12 =	vadd.s32 v3, v12;
	_ =	sdelay $0x2  }
0x1d5: {  	v13 =	vmul.f32 $8.000000000e+00, v13;
	_ =	sdelay $0x1  }
0x1d6: {  	s30 =	sadd.s32 $0x2, s29;
	[tilespmem:v12+s19+$0x0] =	vst.idx.msk $0xffff, v13  }
0x1d7: {  	v12 =	vmov s30;
	v13 =	vld [tilespmem:s26+$0x0]  }
0x1d8: {  	v12 =	vand.u32 $0x7E, v12  }
0x1d9: {  	v14 =	vadd.s32 v0, v12;
	_ =	sdelay $0x2  }
0x1da: {  	v13 =	vmul.f32 $8.000000000e+00, v13;
	_ =	sdelay $0x1  }
0x1db: {  	[tilespmem:v14+s19+$0x0] =	vst.idx.msk $0xffff, v13  }
0x1dc: {  	v13 =	vld [tilespmem:s26+$0x10];
	_ =	sdelay $0x1  }
0x1dd: {  	v14 =	vadd.s32 v1, v12;
	_ =	sdelay $0x2  }
0x1de: {  	v13 =	vmul.f32 $8.000000000e+00, v13;
	_ =	sdelay $0x1  }
0x1df: {  	[tilespmem:v14+s19+$0x0] =	vst.idx.msk $0xffff, v13  }
0x1e0: {  	v13 =	vld [tilespmem:s26+$0x20];
	_ =	sdelay $0x1  }
0x1e1: {  	v14 =	vadd.s32 v2, v12;
	_ =	sdelay $0x2  }
0x1e2: {  	v13 =	vmul.f32 $8.000000000e+00, v13;
	_ =	sdelay $0x1  }
0x1e3: {  	[tilespmem:v14+s19+$0x0] =	vst.idx.msk $0xffff, v13  }
0x1e4: {  	v13 =	vld [tilespmem:s26+$0x30];
	_ =	sdelay $0x1  }
0x1e5: {  	v12 =	vadd.s32 v3, v12;
	_ =	sdelay $0x2  }
0x1e6: {  	v13 =	vmul.f32 $8.000000000e+00, v13;
	_ =	sdelay $0x1  }
0x1e7: {  	s29 =	sadd.s32 $0x3, s29;
	[tilespmem:v12+s19+$0x0] =	vst.idx.msk $0xffff, v13  }
0x1e8: {  	v12 =	vmov s29;
	v13 =	vld [tilespmem:s26+$0x40]  }
0x1e9: {  	v12 =	vand.u32 $0x7F, v12  }
0x1ea: {  	v14 =	vadd.s32 v0, v12;
	_ =	sdelay $0x2  }
0x1eb: {  	v13 =	vmul.f32 $8.000000000e+00, v13;
	_ =	sdelay $0x1  }
0x1ec: {  	[tilespmem:v14+s19+$0x0] =	vst.idx.msk $0xffff, v13  }
0x1ed: {  	v13 =	vld [tilespmem:s26+$0x50];
	_ =	sdelay $0x1  }
0x1ee: {  	v14 =	vadd.s32 v1, v12;
	_ =	sdelay $0x2  }
0x1ef: {  	v13 =	vmul.f32 $8.000000000e+00, v13;
	_ =	sdelay $0x1  }
0x1f0: {  	[tilespmem:v14+s19+$0x0] =	vst.idx.msk $0xffff, v13  }
0x1f1: {  	v13 =	vld [tilespmem:s26+$0x60];
	_ =	sdelay $0x1  }
0x1f2: {  	v14 =	vadd.s32 v2, v12;
	_ =	sdelay $0x2  }
0x1f3: {  	v13 =	vmul.f32 $8.000000000e+00, v13;
	_ =	sdelay $0x1  }
0x1f4: {  	[tilespmem:v14+s19+$0x0] =	vst.idx.msk $0xffff, v13  }
0x1f5: {  	v13 =	vld [tilespmem:s26+$0x70];
	_ =	sdelay $0x1  }
.Ltmp3:
0x1f6: {  	v12 =	vadd.s32 v3, v12;
	(pc) =	sbr.rel @p0 .LBB2_9-.Ltmp3, $2  }
0x1f7: {  	_ =	sdelay $0x1  }
0x1f8: {  	v13 =	vmul.f32 $8.000000000e+00, v13;
	_ =	sdelay $0x1  }
0x1f9: {  	_ =	sdelay $0x3  }
0x1fa: {  	[tilespmem:v12+s19+$0x0] =	vst.idx.msk $0xffff, v13  }
0x1fb: {  	v12 =	vld [tilespmem:s25+$0xFFFFFF10];
	_ =	sdelay $0x1  }
0x1fc: {  	v58 =	vadd.s32 v4, v8;
	_ =	sdelay $0x2  }
0x1fd: {  	v12 =	vmul.f32 $8.000000000e+00, v12;
	_ =	sdelay $0x1  }
0x1fe: {  	[tilespmem:v58+s19+$0x0] =	vst.idx.msk $0xffff, v12  }
0x1ff: {  	v12 =	vld [tilespmem:s25+$0xFFFFFF20];
	_ =	sdelay $0x1  }
0x200: {  	v59 =	vadd.s32 v5, v8;
	_ =	sdelay $0x2  }
0x201: {  	v12 =	vmul.f32 $8.000000000e+00, v12;
	_ =	sdelay $0x1  }
0x202: {  	[tilespmem:v59+s19+$0x0] =	vst.idx.msk $0xffff, v12  }
0x203: {  	v12 =	vld [tilespmem:s25+$0xFFFFFF30];
	_ =	sdelay $0x1  }
0x204: {  	v60 =	vadd.s32 v6, v8;
	_ =	sdelay $0x2  }
0x205: {  	v12 =	vmul.f32 $8.000000000e+00, v12;
	_ =	sdelay $0x1  }
0x206: {  	[tilespmem:v60+s19+$0x0] =	vst.idx.msk $0xffff, v12  }
0x207: {  	v12 =	vld [tilespmem:s25+$0xFFFFFF40];
	_ =	sdelay $0x1  }
0x208: {  	v8 =	vadd.s32 v7, v8;
	_ =	sdelay $0x2  }
0x209: {  	v12 =	vmul.f32 $8.000000000e+00, v12;
	_ =	sdelay $0x1  }
0x20a: {  	[tilespmem:v8+s19+$0x0] =	vst.idx.msk $0xffff, v12  }
0x20b: {  	v8 =	vld [tilespmem:s25+$0xFFFFFF50];
	_ =	sdelay $0x1  }
0x20c: {  	v61 =	vadd.s32 v4, v9;
	_ =	sdelay $0x2  }
0x20d: {  	v8 =	vmul.f32 $8.000000000e+00, v8;
	_ =	sdelay $0x1  }
0x20e: {  	[tilespmem:v61+s19+$0x0] =	vst.idx.msk $0xffff, v8  }
0x20f: {  	v8 =	vld [tilespmem:s25+$0xFFFFFF60];
	_ =	sdelay $0x1  }
0x210: {  	v62 =	vadd.s32 v5, v9;
	_ =	sdelay $0x2  }
0x211: {  	v8 =	vmul.f32 $8.000000000e+00, v8;
	_ =	sdelay $0x1  }
0x212: {  	[tilespmem:v62+s19+$0x0] =	vst.idx.msk $0xffff, v8  }
0x213: {  	v8 =	vld [tilespmem:s25+$0xFFFFFF70];
	_ =	sdelay $0x1  }
0x214: {  	v63 =	vadd.s32 v6, v9;
	_ =	sdelay $0x2  }
0x215: {  	v8 =	vmul.f32 $8.000000000e+00, v8;
	_ =	sdelay $0x1  }
0x216: {  	[tilespmem:v63+s19+$0x0] =	vst.idx.msk $0xffff, v8  }
0x217: {  	v8 =	vld [tilespmem:s25+$0xFFFFFF80];
	_ =	sdelay $0x1  }
0x218: {  	v9 =	vadd.s32 v7, v9;
	_ =	sdelay $0x2  }
0x219: {  	v8 =	vmul.f32 $8.000000000e+00, v8;
	_ =	sdelay $0x1  }
0x21a: {  	[tilespmem:v9+s19+$0x0] =	vst.idx.msk $0xffff, v8  }
0x21b: {  	v8 =	vld [tilespmem:s25+$0xFFFFFF90];
	_ =	sdelay $0x1  }
0x21c: {  	v9 =	vadd.s32 v4, v10;
	_ =	sdelay $0x2  }
0x21d: {  	v8 =	vmul.f32 $8.000000000e+00, v8;
	_ =	sdelay $0x1  }
0x21e: {  	[tilespmem:v9+s19+$0x0] =	vst.idx.msk $0xffff, v8  }
0x21f: {  	v8 =	vld [tilespmem:s25+$0xFFFFFFA0];
	_ =	sdelay $0x1  }
0x220: {  	v9 =	vadd.s32 v5, v10;
	_ =	sdelay $0x2  }
0x221: {  	v8 =	vmul.f32 $8.000000000e+00, v8;
	_ =	sdelay $0x1  }
0x222: {  	[tilespmem:v9+s19+$0x0] =	vst.idx.msk $0xffff, v8  }
0x223: {  	v8 =	vld [tilespmem:s25+$0xFFFFFFB0];
	_ =	sdelay $0x1  }
0x224: {  	v9 =	vadd.s32 v6, v10;
	_ =	sdelay $0x2  }
0x225: {  	v8 =	vmul.f32 $8.000000000e+00, v8;
	_ =	sdelay $0x1  }
0x226: {  	[tilespmem:v9+s19+$0x0] =	vst.idx.msk $0xffff, v8  }
0x227: {  	v8 =	vld [tilespmem:s25+$0xFFFFFFC0];
	_ =	sdelay $0x1  }
0x228: {  	v9 =	vadd.s32 v7, v10;
	_ =	sdelay $0x2  }
0x229: {  	v8 =	vmul.f32 $8.000000000e+00, v8;
	_ =	sdelay $0x1  }
0x22a: {  	[tilespmem:v9+s19+$0x0] =	vst.idx.msk $0xffff, v8  }
0x22b: {  	v8 =	vld [tilespmem:s25+$0xFFFFFFD0];
	_ =	sdelay $0x1  }
0x22c: {  	v9 =	vadd.s32 v4, v11;
	_ =	sdelay $0x2  }
0x22d: {  	v8 =	vmul.f32 $8.000000000e+00, v8;
	_ =	sdelay $0x1  }
0x22e: {  	[tilespmem:v9+s19+$0x0] =	vst.idx.msk $0xffff, v8  }
0x22f: {  	v8 =	vld [tilespmem:s25+$0xFFFFFFE0];
	_ =	sdelay $0x1  }
0x230: {  	v9 =	vadd.s32 v5, v11;
	_ =	sdelay $0x2  }
0x231: {  	v8 =	vmul.f32 $8.000000000e+00, v8;
	_ =	sdelay $0x1  }
0x232: {  	[tilespmem:v9+s19+$0x0] =	vst.idx.msk $0xffff, v8  }
0x233: {  	v8 =	vld [tilespmem:s25+$0xFFFFFFF0];
	_ =	sdelay $0x1  }
0x234: {  	v9 =	vadd.s32 v6, v11;
	_ =	sdelay $0x2  }
0x235: {  	v8 =	vmul.f32 $8.000000000e+00, v8;
	_ =	sdelay $0x1  }
0x236: {  	[tilespmem:v9+s19+$0x0] =	vst.idx.msk $0xffff, v8  }
0x237: {  	v9 =	vld [tilespmem:s25+$0x0];
	_ =	sdelay $0x1  }
0x238: {  	v8 =	vadd.s32 v7, v11;
	_ =	sdelay $0x2  }
0x239: {  	s26 =	simm.s32 $0x4;
	v9 =	vmul.f32 $8.000000000e+00, v9  }
.LBB2_11:
0x23a: {  	p0 =	slt.u32 s26, $0x7C  }
0x23b: {  	s25 =	sadd.s32 $0x100, s25;
	s28 =	smov.u32 s26;
	s26 =	sadd.s32 $0x4, s26;
	[tilespmem:v8+s19+$0x0] =	vst.idx.msk $0xffff, v9  }
0x23c: {  	v8 =	vmov s28;
	v9 =	vld [tilespmem:s25+$0xFFFFFF10]  }
0x23d: {  	v8 =	vand.u32 $0x7C, v8  }
0x23e: {  	v10 =	vadd.s32 v4, v8;
	_ =	sdelay $0x2  }
0x23f: {  	v9 =	vmul.f32 $8.000000000e+00, v9;
	_ =	sdelay $0x1  }
0x240: {  	[tilespmem:v10+s19+$0x0] =	vst.idx.msk $0xffff, v9  }
0x241: {  	v9 =	vld [tilespmem:s25+$0xFFFFFF20];
	_ =	sdelay $0x1  }
0x242: {  	v10 =	vadd.s32 v5, v8;
	_ =	sdelay $0x2  }
0x243: {  	v9 =	vmul.f32 $8.000000000e+00, v9;
	_ =	sdelay $0x1  }
0x244: {  	[tilespmem:v10+s19+$0x0] =	vst.idx.msk $0xffff, v9  }
0x245: {  	v9 =	vld [tilespmem:s25+$0xFFFFFF30];
	_ =	sdelay $0x1  }
0x246: {  	v10 =	vadd.s32 v6, v8;
	_ =	sdelay $0x2  }
0x247: {  	v9 =	vmul.f32 $8.000000000e+00, v9;
	_ =	sdelay $0x1  }
0x248: {  	[tilespmem:v10+s19+$0x0] =	vst.idx.msk $0xffff, v9  }
0x249: {  	v9 =	vld [tilespmem:s25+$0xFFFFFF40];
	_ =	sdelay $0x1  }
0x24a: {  	v8 =	vadd.s32 v7, v8;
	_ =	sdelay $0x2  }
0x24b: {  	v9 =	vmul.f32 $8.000000000e+00, v9;
	_ =	sdelay $0x1  }
0x24c: {  	s29 =	sadd.s32 $0x1, s28;
	[tilespmem:v8+s19+$0x0] =	vst.idx.msk $0xffff, v9  }
0x24d: {  	v8 =	vmov s29;
	v9 =	vld [tilespmem:s25+$0xFFFFFF50]  }
0x24e: {  	v8 =	vand.u32 $0x7D, v8  }
0x24f: {  	v10 =	vadd.s32 v4, v8;
	_ =	sdelay $0x2  }
0x250: {  	v9 =	vmul.f32 $8.000000000e+00, v9;
	_ =	sdelay $0x1  }
0x251: {  	[tilespmem:v10+s19+$0x0] =	vst.idx.msk $0xffff, v9  }
0x252: {  	v9 =	vld [tilespmem:s25+$0xFFFFFF60];
	_ =	sdelay $0x1  }
0x253: {  	v10 =	vadd.s32 v5, v8;
	_ =	sdelay $0x2  }
0x254: {  	v9 =	vmul.f32 $8.000000000e+00, v9;
	_ =	sdelay $0x1  }
0x255: {  	[tilespmem:v10+s19+$0x0] =	vst.idx.msk $0xffff, v9  }
0x256: {  	v9 =	vld [tilespmem:s25+$0xFFFFFF70];
	_ =	sdelay $0x1  }
0x257: {  	v10 =	vadd.s32 v6, v8;
	_ =	sdelay $0x2  }
0x258: {  	v9 =	vmul.f32 $8.000000000e+00, v9;
	_ =	sdelay $0x1  }
0x259: {  	[tilespmem:v10+s19+$0x0] =	vst.idx.msk $0xffff, v9  }
0x25a: {  	v9 =	vld [tilespmem:s25+$0xFFFFFF80];
	_ =	sdelay $0x1  }
0x25b: {  	v8 =	vadd.s32 v7, v8;
	_ =	sdelay $0x2  }
0x25c: {  	v9 =	vmul.f32 $8.000000000e+00, v9;
	_ =	sdelay $0x1  }
0x25d: {  	s29 =	sadd.s32 $0x2, s28;
	[tilespmem:v8+s19+$0x0] =	vst.idx.msk $0xffff, v9  }
0x25e: {  	v8 =	vmov s29;
	v9 =	vld [tilespmem:s25+$0xFFFFFF90]  }
0x25f: {  	v8 =	vand.u32 $0x7E, v8  }
0x260: {  	v10 =	vadd.s32 v4, v8;
	_ =	sdelay $0x2  }
0x261: {  	v9 =	vmul.f32 $8.000000000e+00, v9;
	_ =	sdelay $0x1  }
0x262: {  	[tilespmem:v10+s19+$0x0] =	vst.idx.msk $0xffff, v9  }
0x263: {  	v9 =	vld [tilespmem:s25+$0xFFFFFFA0];
	_ =	sdelay $0x1  }
0x264: {  	v10 =	vadd.s32 v5, v8;
	_ =	sdelay $0x2  }
0x265: {  	v9 =	vmul.f32 $8.000000000e+00, v9;
	_ =	sdelay $0x1  }
0x266: {  	[tilespmem:v10+s19+$0x0] =	vst.idx.msk $0xffff, v9  }
0x267: {  	v9 =	vld [tilespmem:s25+$0xFFFFFFB0];
	_ =	sdelay $0x1  }
0x268: {  	v10 =	vadd.s32 v6, v8;
	_ =	sdelay $0x2  }
0x269: {  	v9 =	vmul.f32 $8.000000000e+00, v9;
	_ =	sdelay $0x1  }
0x26a: {  	[tilespmem:v10+s19+$0x0] =	vst.idx.msk $0xffff, v9  }
0x26b: {  	v9 =	vld [tilespmem:s25+$0xFFFFFFC0];
	_ =	sdelay $0x1  }
0x26c: {  	v8 =	vadd.s32 v7, v8;
	_ =	sdelay $0x2  }
0x26d: {  	v9 =	vmul.f32 $8.000000000e+00, v9;
	_ =	sdelay $0x1  }
0x26e: {  	s28 =	sadd.s32 $0x3, s28;
	[tilespmem:v8+s19+$0x0] =	vst.idx.msk $0xffff, v9  }
0x26f: {  	v8 =	vmov s28;
	v9 =	vld [tilespmem:s25+$0xFFFFFFD0]  }
0x270: {  	v8 =	vand.u32 $0x7F, v8  }
0x271: {  	v10 =	vadd.s32 v4, v8;
	_ =	sdelay $0x2  }
0x272: {  	v9 =	vmul.f32 $8.000000000e+00, v9;
	_ =	sdelay $0x1  }
0x273: {  	[tilespmem:v10+s19+$0x0] =	vst.idx.msk $0xffff, v9  }
0x274: {  	v9 =	vld [tilespmem:s25+$0xFFFFFFE0];
	_ =	sdelay $0x1  }
0x275: {  	v10 =	vadd.s32 v5, v8;
	_ =	sdelay $0x2  }
0x276: {  	v9 =	vmul.f32 $8.000000000e+00, v9;
	_ =	sdelay $0x1  }
0x277: {  	[tilespmem:v10+s19+$0x0] =	vst.idx.msk $0xffff, v9  }
0x278: {  	v9 =	vld [tilespmem:s25+$0xFFFFFFF0];
	_ =	sdelay $0x1  }
0x279: {  	v10 =	vadd.s32 v6, v8;
	_ =	sdelay $0x2  }
0x27a: {  	v9 =	vmul.f32 $8.000000000e+00, v9;
	_ =	sdelay $0x1  }
0x27b: {  	[tilespmem:v10+s19+$0x0] =	vst.idx.msk $0xffff, v9  }
0x27c: {  	v9 =	vld [tilespmem:s25+$0x0]  }
.Ltmp4:
0x27d: {  	(pc) =	sbr.rel @p0 .LBB2_11-.Ltmp4, $2  }
0x27e: {  	v8 =	vadd.s32 v7, v8;
	_ =	sdelay $0x2  }
0x27f: {  	v9 =	vmul.f32 $8.000000000e+00, v9  }
0x280: {  	_ = 	snop  }
0x281: {  	s24 =	sshll.u32 s24, $0x13  }
0x282: {  	s24 =	sor.u32 s4, s24  }
0x283: {  	s24 =	sshrl.u32 s24, $0x3  }
0x284: {  	s30 =	simm.s32 $0x12800;
	[tilespmem:v8+s19+$0x0] =	vst.idx.msk $0xffff, v9;
	s25 =	sadd.s32 s2, s24  }
0x285: {  	[hbm4b:s25+s3] =	stream.linear.scatter [tilespmem:s30], [sflag:$0x4], $0x80, $0x38;
	[tilespmem:$0x16C00] =	vst v63  }
0x286: {  	s31 =	simm.s32 $0x12888;
	s26 =	sadd.s32 $0x10, s25  }
0x287: {  	[hbm4b:s26+s3] =	stream.linear.scatter [tilespmem:s31], [sflag:$0x4], $0x80, $0x38;
	[tilespmem:$0x16C00] =	vst v63  }
0x288: {  	s28 =	simm.s32 $0x12BB8;
	s30 =	simm.s32 $0x12910;
	s31 =	sadd.s32 $0x20, s25  }
0x289: {  	[hbm4b:s31+s3] =	stream.linear.scatter [tilespmem:s30], [sflag:$0x4], $0x80, $0x38;
	[tilespmem:$0x16C00] =	vst v63  }
0x28a: {  	s24 =	simm.s32 $0x440;
	s30 =	simm.s32 $0x12998;
	s31 =	sadd.s32 $0x30, s25  }
0x28b: {  	[hbm4b:s31+s3] =	stream.linear.scatter [tilespmem:s30], [sflag:$0x4], $0x80, $0x38;
	[tilespmem:$0x16C00] =	vst v63  }
0x28c: {  	s29 =	sadd.s32 $0x70, s25;
	s30 =	simm.s32 $0x12A20;
	s31 =	sadd.s32 $0x40, s25  }
0x28d: {  	[hbm4b:s31+s3] =	stream.linear.scatter [tilespmem:s30], [sflag:$0x4], $0x80, $0x38;
	[tilespmem:$0x16C00] =	vst v63  }
0x28e: {  	s26 =	simm.s32 $0x2200;
	s30 =	simm.s32 $0x12AA8;
	s31 =	sadd.s32 $0x50, s25  }
0x28f: {  	[hbm4b:s31+s3] =	stream.linear.scatter [tilespmem:s30], [sflag:$0x4], $0x80, $0x38;
	[tilespmem:$0x16C00] =	vst v63  }
0x290: {  	s30 =	simm.s32 $0x12B30;
	s31 =	sadd.s32 $0x60, s25;
	s25 =	sadd.s32 $0x1000, s25  }
0x291: {  	[hbm4b:s31+s3] =	stream.linear.scatter [tilespmem:s30], [sflag:$0x4], $0x80, $0x38;
	[tilespmem:$0x16C00] =	vst v63  }
.LBB2_13:
0x292: {  	[hbm4b:s29+s3] =	stream.linear.scatter [tilespmem:s28], [sflag:$0x4], $0x80, $0x38;
	[tilespmem:$0x16C00] =	vst v63  }
0x293: {  	s28 =	smov.u32 s24;
	s24 =	smov.u32 s26  }
0x294: {  	s30 =	sadd.s32 $0x1100, s26;
	s24 =	sshra.s32 s24, $0x2;
	s29 =	sadd.s32 $0x12800, s28  }
0x295: {  	[hbm4b:s25+s3] =	stream.linear.scatter [tilespmem:s29], [sflag:$0x4], $0x80, $0x38;
	[tilespmem:$0x16C00] =	vst v63  }
0x296: {  	p0 =	sne.s32 s26, $0xFF00;
	s26 =	sadd.s32 $0x12888, s28;
	s29 =	sadd.s32 $0x10, s25  }
0x297: {  	[hbm4b:s29+s3] =	stream.linear.scatter [tilespmem:s26], [sflag:$0x4], $0x80, $0x38;
	[tilespmem:$0x16C00] =	vst v63  }
0x298: {  	s26 =	sadd.s32 $0x12910, s28;
	s29 =	sadd.s32 $0x20, s25  }
0x299: {  	[hbm4b:s29+s3] =	stream.linear.scatter [tilespmem:s26], [sflag:$0x4], $0x80, $0x38;
	[tilespmem:$0x16C00] =	vst v63  }
0x29a: {  	s26 =	sadd.s32 $0x12998, s28;
	s29 =	sadd.s32 $0x30, s25  }
0x29b: {  	[hbm4b:s29+s3] =	stream.linear.scatter [tilespmem:s26], [sflag:$0x4], $0x80, $0x38;
	[tilespmem:$0x16C00] =	vst v63  }
0x29c: {  	s26 =	sadd.s32 $0x12A20, s28;
	s29 =	sadd.s32 $0x40, s25  }
0x29d: {  	[hbm4b:s29+s3] =	stream.linear.scatter [tilespmem:s26], [sflag:$0x4], $0x80, $0x38;
	[tilespmem:$0x16C00] =	vst v63  }
.Ltmp5:
0x29e: {  	s26 =	sadd.s32 $0x12AA8, s28;
	s29 =	sadd.s32 $0x50, s25;
	(pc) =	sbr.rel @p0 .LBB2_13-.Ltmp5, $4  }
0x29f: {  	[hbm4b:s29+s3] =	stream.linear.scatter [tilespmem:s26], [sflag:$0x4], $0x80, $0x38;
	[tilespmem:$0x16C00] =	vst v63  }
0x2a0: {  	s26 =	sadd.s32 $0x12B30, s28;
	s29 =	sadd.s32 $0x60, s25;
	s28 =	sadd.s32 $0x12BB8, s28  }
0x2a1: {  	[hbm4b:s29+s3] =	stream.linear.scatter [tilespmem:s26], [sflag:$0x4], $0x80, $0x38;
	[tilespmem:$0x16C00] =	vst v63  }
0x2a2: {  	s29 =	sadd.s32 $0x70, s25;
	s25 =	sadd.s32 $0x1000, s25;
	s26 =	smov.u32 s30  }
0x2a3: {  	[hbm4b:s29+s3] =	stream.linear.scatter [tilespmem:s28], [sflag:$0x4], $0x80, $0x38;
	[tilespmem:$0x16C00] =	vst v63  }
0x2a4: {  	s26 =	sadd.s32 $0x12800, s24  }
0x2a5: {  	[hbm4b:s25+s3] =	stream.linear.scatter [tilespmem:s26], [sflag:$0x4], $0x80, $0x38;
	[tilespmem:$0x16C00] =	vst v63  }
0x2a6: {  	s30 =	sadd.s32 $0x12888, s24;
	s31 =	sadd.s32 $0x10, s25  }
0x2a7: {  	[hbm4b:s31+s3] =	stream.linear.scatter [tilespmem:s30], [sflag:$0x4], $0x80, $0x38;
	[tilespmem:$0x16C00] =	vst v63  }
0x2a8: {  	s29 =	sadd.s32 $0x12910, s24;
	s30 =	sadd.s32 $0x20, s25  }
0x2a9: {  	[hbm4b:s30+s3] =	stream.linear.scatter [tilespmem:s29], [sflag:$0x4], $0x80, $0x38;
	[tilespmem:$0x16C00] =	vst v63  }
0x2aa: {  	s31 =	sadd.s32 $0x12998, s24;
	s29 =	sadd.s32 $0x30, s25  }
0x2ab: {  	[hbm4b:s29+s3] =	stream.linear.scatter [tilespmem:s31], [sflag:$0x4], $0x80, $0x38;
	[tilespmem:$0x16C00] =	vst v63  }
0x2ac: {  	s23 =	sadd.s32 $0x1, s23;
	s30 =	sadd.s32 $0x12A20, s24;
	s31 =	sadd.s32 $0x40, s25  }
0x2ad: {  	[hbm4b:s31+s3] =	stream.linear.scatter [tilespmem:s30], [sflag:$0x4], $0x80, $0x38;
	[tilespmem:$0x16C00] =	vst v63  }
0x2ae: {  	p0 =	sne.s32 s23, $0x32;
	s29 =	sadd.s32 $0x12AA8, s24;
	s30 =	sadd.s32 $0x50, s25  }
0x2af: {  	[hbm4b:s30+s3] =	stream.linear.scatter [tilespmem:s29], [sflag:$0x4], $0x80, $0x38;
	[tilespmem:$0x16C00] =	vst v63  }
.Ltmp6:
0x2b0: {  	_ = 	snop;
	(pc) =	sbr.rel @p0 .LBB2_2-.Ltmp6, $4  }
0x2b1: {  	s31 =	sadd.s32 $0x12B30, s24;
	s29 =	sadd.s32 $0x60, s25  }
0x2b2: {  	[hbm4b:s29+s3] =	stream.linear.scatter [tilespmem:s31], [sflag:$0x4], $0x80, $0x38;
	[tilespmem:$0x16C00] =	vst v63  }
0x2b3: {  	s30 =	sadd.s32 $0x12BB8, s24;
	s31 =	sadd.s32 $0x70, s25  }
0x2b4: {  	[hbm4b:s31+s3] =	stream.linear.scatter [tilespmem:s30], [sflag:$0x4], $0x80, $0x38;
	[tilespmem:$0x16C00] =	vst v63  }
0x2b5: {  	s22 =	sadd.s32 $0x1, s22  }
0x2b6: {  	_ =	swait.ge [sflag:s20], $0x4000;
	p0 =	sne.s32 s22, s7  }
.Ltmp7:
0x2b7: {  	[sflag:s20] =	ssyncset.done $0x0;
	(pc) =	sbr.rel @p0 .LBB2_1-.Ltmp7, $4  }
0x2b8: {  	[sflag:s20] =	ssyncadd.s32 $0xFFFFC000  }
0x2b9: {  	_ =	swait.ge [sflag:s21], $0x4000  }
0x2ba: {  	[sflag:s21] =	ssyncset.done $0x0  }
0x2bb: {  	[sflag:s21] =	ssyncadd.s32 $0xFFFFC000  }
0x2bc: {  	_ =	sfence.sel $0x180000  }
0x2bd: {  	[bflag:$0x0] =	sbarrier.arrive $0xFFFF  }
0x2be: {  	p0 =	sne.s32 s1, $0x0;
	_ =	strace $0x90000047  }
0x2bf: {  	s0 =	sadd.s32 @!p0 $0x100000, s0;
	[bflag:$0x2] =	sbarrier.arrive $0xFFFF  }
0x2c0: {  	[sflag:s0] =	ssyncadd.tile.s32 @!p0 $0x1;
	_ =	shalt  }
.Lfunc_end2:
_tile_overlayer_lowered:
.L_overlay_start_2:
0x2c1: {  	(tag) =	ssettag $0x2  }
0x2c2: {  	s0 =	rddreg [dreg:$0x0];
	s2 =	stileid.u32  }
0x2c3: {  	s1 =	rddreg [dreg:$0x1];
	p0 =	sne.s32 s2, $0x0  }
0x2c4: {  	s3 =	rddreg [dreg:$0x2];
	[bflag:$0x3] =	sbarrier.arrive $0xFFFF;
	s2 =	simm.s32 @!p0 $0x1C05  }
0x2c5: {  	[timem:s3], [sflag:s2] =	dma.local @!p0 [hbm:s0], s1  }
0x2c6: {  	s0 =	simm.s32 @!p0 $0x5  }
0x2c7: {  	_ =	swait.ge @!p0 [sflag:s0], s1  }
0x2c8: {  	s1 =	ssub.s32 @!p0 $0x0, s1;
	[sflag:s0] =	ssyncset.done @!p0 $0x0  }
0x2c9: {  	[sflag:s0] =	ssyncadd.s32 @!p0 s1  }
0x2ca: {  	[bflag:$0x3] =	sbarrier.arrive $0xFFFF  }
0x2cb: {  	_ =	shalt  }

</sc_bundles>
